<compile_context>
chip_gen: v7x
topology: tpu7x:2x2x1
jax: 0.10.2.dev20260603
libtpu: 0.0.44.dev20260713+nightly
codegen_flags: <defaults>
</compile_context>

<pallas_src>
import functools
import math

import jax
import jax.numpy as jnp
from jax import lax
from jax.experimental import pallas as pl
from jax.experimental.pallas import tpu as pltpu
from jax.experimental.pallas import tpu_sc as plsc

L = 16
NC = 2
NS = 16
NW = NC * NS
TAN2 = math.tan(math.radians(10.0)) ** 2
DIST2 = 25.0


def _make_sc_kernel(n_pad: int, g: int):
    rows_w = n_pad // NW
    chunks_w = rows_w // L
    mesh = plsc.VectorSubcoreMesh(core_axis_name="c", subcore_axis_name="s",
                                  num_cores=NC, num_subcores=NS)

    @functools.partial(
        pl.kernel,
        out_type=jax.ShapeDtypeStruct((n_pad,), jnp.int32),
        mesh=mesh,
        compiler_params=pltpu.CompilerParams(needs_layout_passes=False),
        scratch_types=[
            pltpu.VMEM((rows_w,), jnp.float32),
            pltpu.VMEM((rows_w,), jnp.float32),
            pltpu.VMEM((rows_w,), jnp.float32),
            pltpu.VMEM((rows_w,), jnp.float32),
            pltpu.VMEM((g,), jnp.float32),
            pltpu.VMEM((g,), jnp.float32),
            pltpu.VMEM((g,), jnp.float32),
            pltpu.VMEM((g,), jnp.float32),
            pltpu.VMEM((g,), jnp.float32),
            pltpu.VMEM((g,), jnp.float32),
            pltpu.VMEM((g,), jnp.float32),
            pltpu.VMEM((g,), jnp.float32),
            pltpu.VMEM((rows_w,), jnp.int32),
        ],
    )
    def sc_kernel(p1x_h, p1y_h, p2x_h, p2y_h, gax_h, gay_h, gbx_h, gby_h,
                  out_h, p1x_v, p1y_v, p2x_v, p2y_v, gax_v, gay_v, gbx_v,
                  gby_v, abx_v, aby_v, c_v, d_v, lab_v):
        wid = lax.axis_index("s") * NC + lax.axis_index("c")
        base = wid * rows_w
        pltpu.sync_copy(p1x_h.at[pl.ds(base, rows_w)], p1x_v)
        pltpu.sync_copy(p1y_h.at[pl.ds(base, rows_w)], p1y_v)
        pltpu.sync_copy(p2x_h.at[pl.ds(base, rows_w)], p2x_v)
        pltpu.sync_copy(p2y_h.at[pl.ds(base, rows_w)], p2y_v)
        pltpu.sync_copy(gax_h, gax_v)
        pltpu.sync_copy(gay_h, gay_v)
        pltpu.sync_copy(gbx_h, gbx_v)
        pltpu.sync_copy(gby_h, gby_v)

        for t in range(g // L):
            sl = pl.ds(t * L, L)
            ax = gax_v[sl]
            ay = gay_v[sl]
            abx = gbx_v[sl] - ax
            aby = gby_v[sl] - ay
            abx_v[sl] = abx
            aby_v[sl] = aby
            c_v[sl] = abx * ay - aby * ax
            d_v[sl] = DIST2 * (abx * abx + aby * aby)

        t2 = jnp.float32(TAN2)
        one = jnp.ones((L,), jnp.int32)
        zero = jnp.zeros((L,), jnp.int32)

        def chunk_body(k, carry):
            sls = [pl.ds((k * 2 + i) * L, L) for i in range(2)]
            rows = []
            for sl in sls:
                p1x = p1x_v[sl]
                p1y = p1y_v[sl]
                rows.append((p1x, p1y, p2x_v[sl] - p1x, p2y_v[sl] - p1y))

            def gt_body(j, carry):
                jv, accs = carry
                abx = plsc.load_gather(abx_v, [jv])
                aby = plsc.load_gather(aby_v, [jv])
                c = plsc.load_gather(c_v, [jv])
                d = plsc.load_gather(d_v, [jv])
                new_accs = []
                for (p1x, p1y, d1x, d1y), acc in zip(rows, accs):
                    cross1 = abx * p1y - aby * p1x - c
                    cross_a = d1x * aby - d1y * abx
                    cross2 = cross1 - cross_a
                    dot_a = d1x * abx + d1y * aby
                    m = ((cross1 * cross1 <= d)
                         & (cross2 * cross2 <= d)
                         & (cross_a * cross_a < t2 * (dot_a * dot_a)))
                    new_accs.append(jnp.where(m, one, acc))
                return jv + 1, tuple(new_accs)

            init = (zero, tuple(zero for _ in range(2)))
            _, accs = lax.fori_loop(0, g, gt_body, init, unroll=8)
            for sl, acc in zip(sls, accs):
                lab_v[sl] = acc
            return carry

        lax.fori_loop(0, chunks_w // 2, chunk_body, 0)
        pltpu.sync_copy(lab_v, out_h.at[pl.ds(base, rows_w)])

    return sc_kernel


BR = 2048
SC_ROWS = 8192


def _tc_body(pt_ref, gt_ref, out_ref):
    t2 = jnp.float32(TAN2)
    gt = gt_ref[...]
    abx = gt[:, 2:3] - gt[:, 0:1]
    aby = gt[:, 3:4] - gt[:, 1:2]
    c = abx * gt[:, 1:2] - aby * gt[:, 0:1]
    d = DIST2 * (abx * abx + aby * aby)
    p1x = pt_ref[0:1, :]
    p1y = pt_ref[1:2, :]
    d1x = pt_ref[2:3, :] - p1x
    d1y = pt_ref[3:4, :] - p1y
    cross1 = abx * p1y - aby * p1x - c
    cross_a = d1x * aby - d1y * abx
    cross2 = cross1 - cross_a
    dot_a = d1x * abx + d1y * aby
    m = ((cross1 * cross1 <= d)
         & (cross2 * cross2 <= d)
         & (cross_a * cross_a < t2 * (dot_a * dot_a)))
    out_ref[0, 0, :] = jnp.any(m, axis=0).astype(jnp.int32)


def _tc_labels(pt, gt):
    n_pad = pt.shape[1]
    g = gt.shape[0]
    grid = n_pad // BR
    out = pl.pallas_call(
        _tc_body,
        grid=(grid,),
        in_specs=[pl.BlockSpec((4, BR), lambda i: (0, i)),
                  pl.BlockSpec((g, 4), lambda i: (0, 0))],
        out_specs=pl.BlockSpec((1, 1, BR), lambda i: (i, 0, 0)),
        out_shape=jax.ShapeDtypeStruct((grid, 1, BR), jnp.int32),
    )(pt, gt)
    return out.reshape(n_pad)


def kernel(proposals, gt_lines):
    n = proposals.shape[0]
    g = gt_lines.shape[0]
    g_pad = -(-g // L) * L
    far = jnp.array([1e6, 1e6, 1e6 + 64.0, 1e6], jnp.float32)
    gt = jnp.concatenate(
        [gt_lines, jnp.broadcast_to(far, (g_pad - g, 4))], axis=0)

    sc_rows = min(SC_ROWS, n - n % (NW * L * 2))
    parts = []
    if sc_rows:
        p_sc = proposals[:sc_rows]
        sc_kernel = _make_sc_kernel(sc_rows, g_pad)
        parts.append(sc_kernel(p_sc[:, 0], p_sc[:, 1], p_sc[:, 2],
                               p_sc[:, 3], gt[:, 0], gt[:, 1], gt[:, 2],
                               gt[:, 3]))
    tc_n = n - sc_rows
    if tc_n:
        tc_pad = -(-tc_n // BR) * BR
        pt = jnp.pad(proposals[sc_rows:].T, ((0, 0), (0, tc_pad - tc_n)))
        parts.append(_tc_labels(pt, gt)[:tc_n])
    labels = jnp.concatenate(parts) if len(parts) > 1 else parts[0]
    return proposals, labels[:n]

# --- scband reference (transcript-rebuilt; emitter-appended) ---
"""Pipeline reference for scband-proposal-target-layer-87144886435943 (READ-ONLY COPY).

The authoritative reference and input builder live on the scoring server;
editing this copy changes nothing except your own understanding.
"""

import jax, jax.numpy as jnp
import numpy as np

MAX_POINT_LINE_DIST = 5.0
MAX_ANGLE = 10.0


def angle_between_lines_matrix(lines, gt_lines):
    # direction vectors of each segment
    d1 = lines[:, 2:4] - lines[:, 0:2]          # [N, 2]
    d2 = gt_lines[:, 2:4] - gt_lines[:, 0:2]    # [G, 2]
    t1 = jnp.degrees(jnp.arctan2(d1[:, 1], d1[:, 0]))   # [N]
    t2 = jnp.degrees(jnp.arctan2(d2[:, 1], d2[:, 0]))   # [G]
    diff = jnp.abs(t1[:, None] - t2[None, :])           # [N, G]
    diff = jnp.mod(diff, 180.0)
    return jnp.minimum(diff, 180.0 - diff)              # acute angle in degrees


def calc_dist_theta(points, gt_lines):
    # points: [N, 2]; gt_lines: [G, 4]
    a = gt_lines[:, 0:2]                                 # [G, 2]
    b = gt_lines[:, 2:4]                                 # [G, 2]
    ab = b - a                                           # [G, 2]
    ap = points[:, None, :] - a[None, :, :]              # [N, G, 2]
    bp = points[:, None, :] - b[None, :, :]              # [N, G, 2]
    cross = jnp.abs(ab[None, :, 0] * ap[:, :, 1] - ab[None, :, 1] * ap[:, :, 0])
    seg_len = jnp.sqrt(jnp.sum(ab * ab, axis=-1)) + 1e-8  # [G]
    perp = cross / seg_len[None, :]                      # [N, G] perpendicular dist to infinite line
    d_a = jnp.sqrt(jnp.sum(ap * ap, axis=-1))
    d_b = jnp.sqrt(jnp.sum(bp * bp, axis=-1))
    d_end = jnp.minimum(d_a, d_b)                        # [N, G] nearest endpoint dist
    dist = jnp.stack([d_end, perp], axis=-1)             # [N, G, 2]; module uses [:, :, 1]
    t = jnp.sum(ap * ab[None, :, :], axis=-1) / (seg_len[None, :] ** 2)
    foot = a[None, :, :] + t[:, :, None] * ab[None, :, :]
    theta = jnp.degrees(jnp.arctan2(ab[:, 1], ab[:, 0]))
    return foot, dist, t, theta


def setup_inputs(seed: int = 0) -> dict:
    key = jax.random.key(seed)
    k1, k2 = jax.random.split(key)
    proposals = jax.random.uniform(k1, (20000, 4), dtype=jnp.float32) * 512.0
    gt_lines = jax.random.uniform(k2, (256, 4), dtype=jnp.float32) * 512.0
    return {"proposals": proposals, "gt_lines": gt_lines}


def reference(proposals, gt_lines):
    angles = angle_between_lines_matrix(proposals, gt_lines)           # [N, G]
    _, d1, _, _ = calc_dist_theta(proposals[:, :2], gt_lines)
    _, d2, _, _ = calc_dist_theta(proposals[:, 2:4], gt_lines)
    dist1 = d1[:, :, 1]
    dist2 = d2[:, :, 1]
    mask = jnp.logical_and(jnp.logical_and(dist1 < MAX_POINT_LINE_DIST,
                                           dist2 < MAX_POINT_LINE_DIST),
                           angles < MAX_ANGLE)
    msum = mask.astype(jnp.float32).sum(axis=1)
    labels = (msum > 0).astype(jnp.int32)
    return proposals, labels

if __name__ == "__main__":
    import jax
    _d = setup_inputs()
    print(jax.jit(kernel)(*tuple(_d.values())))

</pallas_src>

<mosaic_0001>
#map = affine_map<(d0, d1) -> (0)>
module attributes {stable_mosaic.version = 14 : i64} {
  func.func @sc_kernel(%arg0: i32, %arg1: i32, %arg2: memref<8192xf32, #tpu.memory_space<hbm>>, %arg3: memref<8192xf32, #tpu.memory_space<hbm>>, %arg4: memref<8192xf32, #tpu.memory_space<hbm>>, %arg5: memref<8192xf32, #tpu.memory_space<hbm>>, %arg6: memref<256xf32, #tpu.memory_space<hbm>>, %arg7: memref<256xf32, #tpu.memory_space<hbm>>, %arg8: memref<256xf32, #tpu.memory_space<hbm>>, %arg9: memref<256xf32, #tpu.memory_space<hbm>>, %arg10: memref<8192xi32, #tpu.memory_space<hbm>>, %arg11: memref<256xf32, #tpu.memory_space<vmem>>, %arg12: memref<256xf32, #tpu.memory_space<vmem>>, %arg13: memref<256xf32, #tpu.memory_space<vmem>>, %arg14: memref<256xf32, #tpu.memory_space<vmem>>, %arg15: memref<256xf32, #tpu.memory_space<vmem>>, %arg16: memref<256xf32, #tpu.memory_space<vmem>>, %arg17: memref<256xf32, #tpu.memory_space<vmem>>, %arg18: memref<256xf32, #tpu.memory_space<vmem>>, %arg19: memref<256xf32, #tpu.memory_space<vmem>>, %arg20: memref<256xf32, #tpu.memory_space<vmem>>, %arg21: memref<256xf32, #tpu.memory_space<vmem>>, %arg22: memref<256xf32, #tpu.memory_space<vmem>>, %arg23: memref<256xi32, #tpu.memory_space<vmem>>) attributes {dimension_semantics = [#tpu.dimension_semantics<core_parallel>, #tpu.dimension_semantics<subcore_parallel>], iteration_bounds = array<i64: 2, 16>, scalar_prefetch = 0 : i64, scratch_operands = 13 : i64, tpu.core_type = #tpu.core_type<sc_vector_subcore>, window_params = [{transform_indices = #map}, {transform_indices = #map}, {transform_indices = #map}, {transform_indices = #map}, {transform_indices = #map}, {transform_indices = #map}, {transform_indices = #map}, {transform_indices = #map}, {transform_indices = #map}]} {
    %mul3A = arith.constant 2 : i32
    %mul3A_0 = arith.muli %arg1, %mul3A : i32
    %add3A = arith.addi %mul3A_0, %arg0 : i32
    %mul3A_1 = arith.constant 256 : i32
    %mul3A_2 = arith.muli %add3A, %mul3A_1 : i32
    "tpu.region"() ({
      %run_scoped3A = tpu.sem_alloc : memref<!tpu.dma_semaphore, #tpu.memory_space<semaphore_mem>>
      %dma_start3A = tpu.memref_slice %arg2[%mul3A_2] : memref<8192xf32, #tpu.memory_space<hbm>> -> memref<256xf32, #tpu.memory_space<hbm>>
      %dma_start3A_441 = tpu.memref_slice %arg2[%mul3A_2] : memref<8192xf32, #tpu.memory_space<hbm>> -> memref<256xf32, #tpu.memory_space<hbm>>
      tpu.enqueue_dma source(%dma_start3A_441 : memref<256xf32, #tpu.memory_space<hbm>>) target(%arg11 : memref<256xf32, #tpu.memory_space<vmem>>) target_semaphore(%run_scoped3A : memref<!tpu.dma_semaphore, #tpu.memory_space<semaphore_mem>>)
      %dma_wait3A = tpu.memref_slice %arg2[%mul3A_2] : memref<8192xf32, #tpu.memory_space<hbm>> -> memref<256xf32, #tpu.memory_space<hbm>>
      %dma_wait3A_442 = tpu.memref_slice %arg2[%mul3A_2] : memref<8192xf32, #tpu.memory_space<hbm>> -> memref<256xf32, #tpu.memory_space<hbm>>
      tpu.wait_dma2 semaphore(%run_scoped3A : memref<!tpu.dma_semaphore, #tpu.memory_space<semaphore_mem>>) src(%dma_wait3A_442 : memref<256xf32, #tpu.memory_space<hbm>>) dst(%arg11 : memref<256xf32, #tpu.memory_space<vmem>>)
      tpu.yield
    }) : () -> ()
    "tpu.region"() ({
      %run_scoped3A = tpu.sem_alloc : memref<!tpu.dma_semaphore, #tpu.memory_space<semaphore_mem>>
      %dma_start3A = tpu.memref_slice %arg3[%mul3A_2] : memref<8192xf32, #tpu.memory_space<hbm>> -> memref<256xf32, #tpu.memory_space<hbm>>
      %dma_start3A_441 = tpu.memref_slice %arg3[%mul3A_2] : memref<8192xf32, #tpu.memory_space<hbm>> -> memref<256xf32, #tpu.memory_space<hbm>>
      tpu.enqueue_dma source(%dma_start3A_441 : memref<256xf32, #tpu.memory_space<hbm>>) target(%arg12 : memref<256xf32, #tpu.memory_space<vmem>>) target_semaphore(%run_scoped3A : memref<!tpu.dma_semaphore, #tpu.memory_space<semaphore_mem>>)
      %dma_wait3A = tpu.memref_slice %arg3[%mul3A_2] : memref<8192xf32, #tpu.memory_space<hbm>> -> memref<256xf32, #tpu.memory_space<hbm>>
      %dma_wait3A_442 = tpu.memref_slice %arg3[%mul3A_2] : memref<8192xf32, #tpu.memory_space<hbm>> -> memref<256xf32, #tpu.memory_space<hbm>>
      tpu.wait_dma2 semaphore(%run_scoped3A : memref<!tpu.dma_semaphore, #tpu.memory_space<semaphore_mem>>) src(%dma_wait3A_442 : memref<256xf32, #tpu.memory_space<hbm>>) dst(%arg12 : memref<256xf32, #tpu.memory_space<vmem>>)
      tpu.yield
    }) : () -> ()
    "tpu.region"() ({
      %run_scoped3A = tpu.sem_alloc : memref<!tpu.dma_semaphore, #tpu.memory_space<semaphore_mem>>
      %dma_start3A = tpu.memref_slice %arg4[%mul3A_2] : memref<8192xf32, #tpu.memory_space<hbm>> -> memref<256xf32, #tpu.memory_space<hbm>>
      %dma_start3A_441 = tpu.memref_slice %arg4[%mul3A_2] : memref<8192xf32, #tpu.memory_space<hbm>> -> memref<256xf32, #tpu.memory_space<hbm>>
      tpu.enqueue_dma source(%dma_start3A_441 : memref<256xf32, #tpu.memory_space<hbm>>) target(%arg13 : memref<256xf32, #tpu.memory_space<vmem>>) target_semaphore(%run_scoped3A : memref<!tpu.dma_semaphore, #tpu.memory_space<semaphore_mem>>)
      %dma_wait3A = tpu.memref_slice %arg4[%mul3A_2] : memref<8192xf32, #tpu.memory_space<hbm>> -> memref<256xf32, #tpu.memory_space<hbm>>
      %dma_wait3A_442 = tpu.memref_slice %arg4[%mul3A_2] : memref<8192xf32, #tpu.memory_space<hbm>> -> memref<256xf32, #tpu.memory_space<hbm>>
      tpu.wait_dma2 semaphore(%run_scoped3A : memref<!tpu.dma_semaphore, #tpu.memory_space<semaphore_mem>>) src(%dma_wait3A_442 : memref<256xf32, #tpu.memory_space<hbm>>) dst(%arg13 : memref<256xf32, #tpu.memory_space<vmem>>)
      tpu.yield
    }) : () -> ()
    "tpu.region"() ({
      %run_scoped3A = tpu.sem_alloc : memref<!tpu.dma_semaphore, #tpu.memory_space<semaphore_mem>>
      %dma_start3A = tpu.memref_slice %arg5[%mul3A_2] : memref<8192xf32, #tpu.memory_space<hbm>> -> memref<256xf32, #tpu.memory_space<hbm>>
      %dma_start3A_441 = tpu.memref_slice %arg5[%mul3A_2] : memref<8192xf32, #tpu.memory_space<hbm>> -> memref<256xf32, #tpu.memory_space<hbm>>
      tpu.enqueue_dma source(%dma_start3A_441 : memref<256xf32, #tpu.memory_space<hbm>>) target(%arg14 : memref<256xf32, #tpu.memory_space<vmem>>) target_semaphore(%run_scoped3A : memref<!tpu.dma_semaphore, #tpu.memory_space<semaphore_mem>>)
      %dma_wait3A = tpu.memref_slice %arg5[%mul3A_2] : memref<8192xf32, #tpu.memory_space<hbm>> -> memref<256xf32, #tpu.memory_space<hbm>>
      %dma_wait3A_442 = tpu.memref_slice %arg5[%mul3A_2] : memref<8192xf32, #tpu.memory_space<hbm>> -> memref<256xf32, #tpu.memory_space<hbm>>
      tpu.wait_dma2 semaphore(%run_scoped3A : memref<!tpu.dma_semaphore, #tpu.memory_space<semaphore_mem>>) src(%dma_wait3A_442 : memref<256xf32, #tpu.memory_space<hbm>>) dst(%arg14 : memref<256xf32, #tpu.memory_space<vmem>>)
      tpu.yield
    }) : () -> ()
    "tpu.region"() ({
      %run_scoped3A = tpu.sem_alloc : memref<!tpu.dma_semaphore, #tpu.memory_space<semaphore_mem>>
      tpu.enqueue_dma source(%arg6 : memref<256xf32, #tpu.memory_space<hbm>>) target(%arg15 : memref<256xf32, #tpu.memory_space<vmem>>) target_semaphore(%run_scoped3A : memref<!tpu.dma_semaphore, #tpu.memory_space<semaphore_mem>>)
      tpu.wait_dma2 semaphore(%run_scoped3A : memref<!tpu.dma_semaphore, #tpu.memory_space<semaphore_mem>>) src(%arg6 : memref<256xf32, #tpu.memory_space<hbm>>) dst(%arg15 : memref<256xf32, #tpu.memory_space<vmem>>)
      tpu.yield
    }) : () -> ()
    "tpu.region"() ({
      %run_scoped3A = tpu.sem_alloc : memref<!tpu.dma_semaphore, #tpu.memory_space<semaphore_mem>>
      tpu.enqueue_dma source(%arg7 : memref<256xf32, #tpu.memory_space<hbm>>) target(%arg16 : memref<256xf32, #tpu.memory_space<vmem>>) target_semaphore(%run_scoped3A : memref<!tpu.dma_semaphore, #tpu.memory_space<semaphore_mem>>)
      tpu.wait_dma2 semaphore(%run_scoped3A : memref<!tpu.dma_semaphore, #tpu.memory_space<semaphore_mem>>) src(%arg7 : memref<256xf32, #tpu.memory_space<hbm>>) dst(%arg16 : memref<256xf32, #tpu.memory_space<vmem>>)
      tpu.yield
    }) : () -> ()
    "tpu.region"() ({
      %run_scoped3A = tpu.sem_alloc : memref<!tpu.dma_semaphore, #tpu.memory_space<semaphore_mem>>
      tpu.enqueue_dma source(%arg8 : memref<256xf32, #tpu.memory_space<hbm>>) target(%arg17 : memref<256xf32, #tpu.memory_space<vmem>>) target_semaphore(%run_scoped3A : memref<!tpu.dma_semaphore, #tpu.memory_space<semaphore_mem>>)
      tpu.wait_dma2 semaphore(%run_scoped3A : memref<!tpu.dma_semaphore, #tpu.memory_space<semaphore_mem>>) src(%arg8 : memref<256xf32, #tpu.memory_space<hbm>>) dst(%arg17 : memref<256xf32, #tpu.memory_space<vmem>>)
      tpu.yield
    }) : () -> ()
    "tpu.region"() ({
      %run_scoped3A = tpu.sem_alloc : memref<!tpu.dma_semaphore, #tpu.memory_space<semaphore_mem>>
      tpu.enqueue_dma source(%arg9 : memref<256xf32, #tpu.memory_space<hbm>>) target(%arg18 : memref<256xf32, #tpu.memory_space<vmem>>) target_semaphore(%run_scoped3A : memref<!tpu.dma_semaphore, #tpu.memory_space<semaphore_mem>>)
      tpu.wait_dma2 semaphore(%run_scoped3A : memref<!tpu.dma_semaphore, #tpu.memory_space<semaphore_mem>>) src(%arg9 : memref<256xf32, #tpu.memory_space<hbm>>) dst(%arg18 : memref<256xf32, #tpu.memory_space<vmem>>)
      tpu.yield
    }) : () -> ()
    %get3A = arith.constant 0 : index
    %get3A_3 = tpu.vector_load %arg15[%get3A] {strides = array<i32>} : memref<256xf32, #tpu.memory_space<vmem>>, vector<16xf32>,
    %get3A_4 = arith.constant 0 : index
    %get3A_5 = tpu.vector_load %arg16[%get3A_4] {strides = array<i32>} : memref<256xf32, #tpu.memory_space<vmem>>, vector<16xf32>,
    %get3A_6 = arith.constant 0 : index
    %get3A_7 = tpu.vector_load %arg17[%get3A_6] {strides = array<i32>} : memref<256xf32, #tpu.memory_space<vmem>>, vector<16xf32>,
    %sub3A = arith.subf %get3A_7, %get3A_3 : vector<16xf32>
    %get3A_8 = arith.constant 0 : index
    %get3A_9 = tpu.vector_load %arg18[%get3A_8] {strides = array<i32>} : memref<256xf32, #tpu.memory_space<vmem>>, vector<16xf32>,
    %sub3A_10 = arith.subf %get3A_9, %get3A_5 : vector<16xf32>
    %swap3A = arith.constant 0 : index
    %swap3A_11 = tpu.vector_load %arg19[%swap3A] {strides = array<i32>} : memref<256xf32, #tpu.memory_space<vmem>>, vector<16xf32>,
    tpu.vector_store %arg19[%swap3A], %sub3A {strides = array<i32>} : memref<256xf32, #tpu.memory_space<vmem>>, vector<16xf32>,
    %swap3A_12 = arith.constant 0 : index
    %swap3A_13 = tpu.vector_load %arg20[%swap3A_12] {strides = array<i32>} : memref<256xf32, #tpu.memory_space<vmem>>, vector<16xf32>,
    tpu.vector_store %arg20[%swap3A_12], %sub3A_10 {strides = array<i32>} : memref<256xf32, #tpu.memory_space<vmem>>, vector<16xf32>,
    %mul3A_14 = arith.mulf %sub3A, %get3A_5 : vector<16xf32>
    %mul3A_15 = arith.mulf %sub3A_10, %get3A_3 : vector<16xf32>
    %sub3A_16 = arith.subf %mul3A_14, %mul3A_15 : vector<16xf32>
    %swap3A_17 = arith.constant 0 : index
    %swap3A_18 = tpu.vector_load %arg21[%swap3A_17] {strides = array<i32>} : memref<256xf32, #tpu.memory_space<vmem>>, vector<16xf32>,
    tpu.vector_store %arg21[%swap3A_17], %sub3A_16 {strides = array<i32>} : memref<256xf32, #tpu.memory_space<vmem>>, vector<16xf32>,
    %mul3A_19 = arith.mulf %sub3A, %sub3A : vector<16xf32>
    %mul3A_20 = arith.mulf %sub3A_10, %sub3A_10 : vector<16xf32>
    %add3A_21 = arith.addf %mul3A_19, %mul3A_20 : vector<16xf32>
    %mul3A_22 = arith.constant 2.500000e+01 : f32
    %mul3A_23 = vector.broadcast %mul3A_22 : f32 to vector<16xf32>
    %mul3A_24 = arith.mulf %mul3A_23, %add3A_21 : vector<16xf32>
    %swap3A_25 = arith.constant 0 : index
    %swap3A_26 = tpu.vector_load %arg22[%swap3A_25] {strides = array<i32>} : memref<256xf32, #tpu.memory_space<vmem>>, vector<16xf32>,
    tpu.vector_store %arg22[%swap3A_25], %mul3A_24 {strides = array<i32>} : memref<256xf32, #tpu.memory_space<vmem>>, vector<16xf32>,
    %get3A_27 = arith.constant 16 : index
    %get3A_28 = tpu.vector_load %arg15[%get3A_27] {strides = array<i32>} : memref<256xf32, #tpu.memory_space<vmem>>, vector<16xf32>,
    %get3A_29 = arith.constant 16 : index
    %get3A_30 = tpu.vector_load %arg16[%get3A_29] {strides = array<i32>} : memref<256xf32, #tpu.memory_space<vmem>>, vector<16xf32>,
    %get3A_31 = arith.constant 16 : index
    %get3A_32 = tpu.vector_load %arg17[%get3A_31] {strides = array<i32>} : memref<256xf32, #tpu.memory_space<vmem>>, vector<16xf32>,
    %sub3A_33 = arith.subf %get3A_32, %get3A_28 : vector<16xf32>
    %get3A_34 = arith.constant 16 : index
    %get3A_35 = tpu.vector_load %arg18[%get3A_34] {strides = array<i32>} : memref<256xf32, #tpu.memory_space<vmem>>, vector<16xf32>,
    %sub3A_36 = arith.subf %get3A_35, %get3A_30 : vector<16xf32>
    %swap3A_37 = arith.constant 16 : index
    %swap3A_38 = tpu.vector_load %arg19[%swap3A_37] {strides = array<i32>} : memref<256xf32, #tpu.memory_space<vmem>>, vector<16xf32>,
    tpu.vector_store %arg19[%swap3A_37], %sub3A_33 {strides = array<i32>} : memref<256xf32, #tpu.memory_space<vmem>>, vector<16xf32>,
    %swap3A_39 = arith.constant 16 : index
    %swap3A_40 = tpu.vector_load %arg20[%swap3A_39] {strides = array<i32>} : memref<256xf32, #tpu.memory_space<vmem>>, vector<16xf32>,
    tpu.vector_store %arg20[%swap3A_39], %sub3A_36 {strides = array<i32>} : memref<256xf32, #tpu.memory_space<vmem>>, vector<16xf32>,
    %mul3A_41 = arith.mulf %sub3A_33, %get3A_30 : vector<16xf32>
    %mul3A_42 = arith.mulf %sub3A_36, %get3A_28 : vector<16xf32>
    %sub3A_43 = arith.subf %mul3A_41, %mul3A_42 : vector<16xf32>
    %swap3A_44 = arith.constant 16 : index
    %swap3A_45 = tpu.vector_load %arg21[%swap3A_44] {strides = array<i32>} : memref<256xf32, #tpu.memory_space<vmem>>, vector<16xf32>,
    tpu.vector_store %arg21[%swap3A_44], %sub3A_43 {strides = array<i32>} : memref<256xf32, #tpu.memory_space<vmem>>, vector<16xf32>,
    %mul3A_46 = arith.mulf %sub3A_33, %sub3A_33 : vector<16xf32>
    %mul3A_47 = arith.mulf %sub3A_36, %sub3A_36 : vector<16xf32>
    %add3A_48 = arith.addf %mul3A_46, %mul3A_47 : vector<16xf32>
    %mul3A_49 = arith.constant 2.500000e+01 : f32
    %mul3A_50 = vector.broadcast %mul3A_49 : f32 to vector<16xf32>
    %mul3A_51 = arith.mulf %mul3A_50, %add3A_48 : vector<16xf32>
    %swap3A_52 = arith.constant 16 : index
    %swap3A_53 = tpu.vector_load %arg22[%swap3A_52] {strides = array<i32>} : memref<256xf32, #tpu.memory_space<vmem>>, vector<16xf32>,
    tpu.vector_store %arg22[%swap3A_52], %mul3A_51 {strides = array<i32>} : memref<256xf32, #tpu.memory_space<vmem>>, vector<16xf32>,
    %get3A_54 = arith.constant 32 : index
    %get3A_55 = tpu.vector_load %arg15[%get3A_54] {strides = array<i32>} : memref<256xf32, #tpu.memory_space<vmem>>, vector<16xf32>,
    %get3A_56 = arith.constant 32 : index
    %get3A_57 = tpu.vector_load %arg16[%get3A_56] {strides = array<i32>} : memref<256xf32, #tpu.memory_space<vmem>>, vector<16xf32>,
    %get3A_58 = arith.constant 32 : index
    %get3A_59 = tpu.vector_load %arg17[%get3A_58] {strides = array<i32>} : memref<256xf32, #tpu.memory_space<vmem>>, vector<16xf32>,
    %sub3A_60 = arith.subf %get3A_59, %get3A_55 : vector<16xf32>
    %get3A_61 = arith.constant 32 : index
    %get3A_62 = tpu.vector_load %arg18[%get3A_61] {strides = array<i32>} : memref<256xf32, #tpu.memory_space<vmem>>, vector<16xf32>,
    %sub3A_63 = arith.subf %get3A_62, %get3A_57 : vector<16xf32>
    %swap3A_64 = arith.constant 32 : index
    %swap3A_65 = tpu.vector_load %arg19[%swap3A_64] {strides = array<i32>} : memref<256xf32, #tpu.memory_space<vmem>>, vector<16xf32>,
    tpu.vector_store %arg19[%swap3A_64], %sub3A_60 {strides = array<i32>} : memref<256xf32, #tpu.memory_space<vmem>>, vector<16xf32>,
    %swap3A_66 = arith.constant 32 : index
    %swap3A_67 = tpu.vector_load %arg20[%swap3A_66] {strides = array<i32>} : memref<256xf32, #tpu.memory_space<vmem>>, vector<16xf32>,
    tpu.vector_store %arg20[%swap3A_66], %sub3A_63 {strides = array<i32>} : memref<256xf32, #tpu.memory_space<vmem>>, vector<16xf32>,
    %mul3A_68 = arith.mulf %sub3A_60, %get3A_57 : vector<16xf32>
    %mul3A_69 = arith.mulf %sub3A_63, %get3A_55 : vector<16xf32>
    %sub3A_70 = arith.subf %mul3A_68, %mul3A_69 : vector<16xf32>
    %swap3A_71 = arith.constant 32 : index
    %swap3A_72 = tpu.vector_load %arg21[%swap3A_71] {strides = array<i32>} : memref<256xf32, #tpu.memory_space<vmem>>, vector<16xf32>,
    tpu.vector_store %arg21[%swap3A_71], %sub3A_70 {strides = array<i32>} : memref<256xf32, #tpu.memory_space<vmem>>, vector<16xf32>,
    %mul3A_73 = arith.mulf %sub3A_60, %sub3A_60 : vector<16xf32>
    %mul3A_74 = arith.mulf %sub3A_63, %sub3A_63 : vector<16xf32>
    %add3A_75 = arith.addf %mul3A_73, %mul3A_74 : vector<16xf32>
    %mul3A_76 = arith.constant 2.500000e+01 : f32
    %mul3A_77 = vector.broadcast %mul3A_76 : f32 to vector<16xf32>
    %mul3A_78 = arith.mulf %mul3A_77, %add3A_75 : vector<16xf32>
    %swap3A_79 = arith.constant 32 : index
    %swap3A_80 = tpu.vector_load %arg22[%swap3A_79] {strides = array<i32>} : memref<256xf32, #tpu.memory_space<vmem>>, vector<16xf32>,
    tpu.vector_store %arg22[%swap3A_79], %mul3A_78 {strides = array<i32>} : memref<256xf32, #tpu.memory_space<vmem>>, vector<16xf32>,
    %get3A_81 = arith.constant 48 : index
    %get3A_82 = tpu.vector_load %arg15[%get3A_81] {strides = array<i32>} : memref<256xf32, #tpu.memory_space<vmem>>, vector<16xf32>,
    %get3A_83 = arith.constant 48 : index
    %get3A_84 = tpu.vector_load %arg16[%get3A_83] {strides = array<i32>} : memref<256xf32, #tpu.memory_space<vmem>>, vector<16xf32>,
    %get3A_85 = arith.constant 48 : index
    %get3A_86 = tpu.vector_load %arg17[%get3A_85] {strides = array<i32>} : memref<256xf32, #tpu.memory_space<vmem>>, vector<16xf32>,
    %sub3A_87 = arith.subf %get3A_86, %get3A_82 : vector<16xf32>
    %get3A_88 = arith.constant 48 : index
    %get3A_89 = tpu.vector_load %arg18[%get3A_88] {strides = array<i32>} : memref<256xf32, #tpu.memory_space<vmem>>, vector<16xf32>,
    %sub3A_90 = arith.subf %get3A_89, %get3A_84 : vector<16xf32>
    %swap3A_91 = arith.constant 48 : index
    %swap3A_92 = tpu.vector_load %arg19[%swap3A_91] {strides = array<i32>} : memref<256xf32, #tpu.memory_space<vmem>>, vector<16xf32>,
    tpu.vector_store %arg19[%swap3A_91], %sub3A_87 {strides = array<i32>} : memref<256xf32, #tpu.memory_space<vmem>>, vector<16xf32>,
    %swap3A_93 = arith.constant 48 : index
    %swap3A_94 = tpu.vector_load %arg20[%swap3A_93] {strides = array<i32>} : memref<256xf32, #tpu.memory_space<vmem>>, vector<16xf32>,
    tpu.vector_store %arg20[%swap3A_93], %sub3A_90 {strides = array<i32>} : memref<256xf32, #tpu.memory_space<vmem>>, vector<16xf32>,
    %mul3A_95 = arith.mulf %sub3A_87, %get3A_84 : vector<16xf32>
    %mul3A_96 = arith.mulf %sub3A_90, %get3A_82 : vector<16xf32>
    %sub3A_97 = arith.subf %mul3A_95, %mul3A_96 : vector<16xf32>
    %swap3A_98 = arith.constant 48 : index
    %swap3A_99 = tpu.vector_load %arg21[%swap3A_98] {strides = array<i32>} : memref<256xf32, #tpu.memory_space<vmem>>, vector<16xf32>,
    tpu.vector_store %arg21[%swap3A_98], %sub3A_97 {strides = array<i32>} : memref<256xf32, #tpu.memory_space<vmem>>, vector<16xf32>,
    %mul3A_100 = arith.mulf %sub3A_87, %sub3A_87 : vector<16xf32>
    %mul3A_101 = arith.mulf %sub3A_90, %sub3A_90 : vector<16xf32>
    %add3A_102 = arith.addf %mul3A_100, %mul3A_101 : vector<16xf32>
    %mul3A_103 = arith.constant 2.500000e+01 : f32
    %mul3A_104 = vector.broadcast %mul3A_103 : f32 to vector<16xf32>
    %mul3A_105 = arith.mulf %mul3A_104, %add3A_102 : vector<16xf32>
    %swap3A_106 = arith.constant 48 : index
    %swap3A_107 = tpu.vector_load %arg22[%swap3A_106] {strides = array<i32>} : memref<256xf32, #tpu.memory_space<vmem>>, vector<16xf32>,
    tpu.vector_store %arg22[%swap3A_106], %mul3A_105 {strides = array<i32>} : memref<256xf32, #tpu.memory_space<vmem>>, vector<16xf32>,
    %get3A_108 = arith.constant 64 : index
    %get3A_109 = tpu.vector_load %arg15[%get3A_108] {strides = array<i32>} : memref<256xf32, #tpu.memory_space<vmem>>, vector<16xf32>,
    %get3A_110 = arith.constant 64 : index
    %get3A_111 = tpu.vector_load %arg16[%get3A_110] {strides = array<i32>} : memref<256xf32, #tpu.memory_space<vmem>>, vector<16xf32>,
    %get3A_112 = arith.constant 64 : index
    %get3A_113 = tpu.vector_load %arg17[%get3A_112] {strides = array<i32>} : memref<256xf32, #tpu.memory_space<vmem>>, vector<16xf32>,
    %sub3A_114 = arith.subf %get3A_113, %get3A_109 : vector<16xf32>
    %get3A_115 = arith.constant 64 : index
    %get3A_116 = tpu.vector_load %arg18[%get3A_115] {strides = array<i32>} : memref<256xf32, #tpu.memory_space<vmem>>, vector<16xf32>,
    %sub3A_117 = arith.subf %get3A_116, %get3A_111 : vector<16xf32>
    %swap3A_118 = arith.constant 64 : index
    %swap3A_119 = tpu.vector_load %arg19[%swap3A_118] {strides = array<i32>} : memref<256xf32, #tpu.memory_space<vmem>>, vector<16xf32>,
    tpu.vector_store %arg19[%swap3A_118], %sub3A_114 {strides = array<i32>} : memref<256xf32, #tpu.memory_space<vmem>>, vector<16xf32>,
    %swap3A_120 = arith.constant 64 : index
    %swap3A_121 = tpu.vector_load %arg20[%swap3A_120] {strides = array<i32>} : memref<256xf32, #tpu.memory_space<vmem>>, vector<16xf32>,
    tpu.vector_store %arg20[%swap3A_120], %sub3A_117 {strides = array<i32>} : memref<256xf32, #tpu.memory_space<vmem>>, vector<16xf32>,
    %mul3A_122 = arith.mulf %sub3A_114, %get3A_111 : vector<16xf32>
    %mul3A_123 = arith.mulf %sub3A_117, %get3A_109 : vector<16xf32>
    %sub3A_124 = arith.subf %mul3A_122, %mul3A_123 : vector<16xf32>
    %swap3A_125 = arith.constant 64 : index
    %swap3A_126 = tpu.vector_load %arg21[%swap3A_125] {strides = array<i32>} : memref<256xf32, #tpu.memory_space<vmem>>, vector<16xf32>,
    tpu.vector_store %arg21[%swap3A_125], %sub3A_124 {strides = array<i32>} : memref<256xf32, #tpu.memory_space<vmem>>, vector<16xf32>,
    %mul3A_127 = arith.mulf %sub3A_114, %sub3A_114 : vector<16xf32>
    %mul3A_128 = arith.mulf %sub3A_117, %sub3A_117 : vector<16xf32>
    %add3A_129 = arith.addf %mul3A_127, %mul3A_128 : vector<16xf32>
    %mul3A_130 = arith.constant 2.500000e+01 : f32
    %mul3A_131 = vector.broadcast %mul3A_130 : f32 to vector<16xf32>
    %mul3A_132 = arith.mulf %mul3A_131, %add3A_129 : vector<16xf32>
    %swap3A_133 = arith.constant 64 : index
    %swap3A_134 = tpu.vector_load %arg22[%swap3A_133] {strides = array<i32>} : memref<256xf32, #tpu.memory_space<vmem>>, vector<16xf32>,
    tpu.vector_store %arg22[%swap3A_133], %mul3A_132 {strides = array<i32>} : memref<256xf32, #tpu.memory_space<vmem>>, vector<16xf32>,
    %get3A_135 = arith.constant 80 : index
    %get3A_136 = tpu.vector_load %arg15[%get3A_135] {strides = array<i32>} : memref<256xf32, #tpu.memory_space<vmem>>, vector<16xf32>,
    %get3A_137 = arith.constant 80 : index
    %get3A_138 = tpu.vector_load %arg16[%get3A_137] {strides = array<i32>} : memref<256xf32, #tpu.memory_space<vmem>>, vector<16xf32>,
    %get3A_139 = arith.constant 80 : index
    %get3A_140 = tpu.vector_load %arg17[%get3A_139] {strides = array<i32>} : memref<256xf32, #tpu.memory_space<vmem>>, vector<16xf32>,
    %sub3A_141 = arith.subf %get3A_140, %get3A_136 : vector<16xf32>
    %get3A_142 = arith.constant 80 : index
    %get3A_143 = tpu.vector_load %arg18[%get3A_142] {strides = array<i32>} : memref<256xf32, #tpu.memory_space<vmem>>, vector<16xf32>,
    %sub3A_144 = arith.subf %get3A_143, %get3A_138 : vector<16xf32>
    %swap3A_145 = arith.constant 80 : index
    %swap3A_146 = tpu.vector_load %arg19[%swap3A_145] {strides = array<i32>} : memref<256xf32, #tpu.memory_space<vmem>>, vector<16xf32>,
    tpu.vector_store %arg19[%swap3A_145], %sub3A_141 {strides = array<i32>} : memref<256xf32, #tpu.memory_space<vmem>>, vector<16xf32>,
    %swap3A_147 = arith.constant 80 : index
    %swap3A_148 = tpu.vector_load %arg20[%swap3A_147] {strides = array<i32>} : memref<256xf32, #tpu.memory_space<vmem>>, vector<16xf32>,
    tpu.vector_store %arg20[%swap3A_147], %sub3A_144 {strides = array<i32>} : memref<256xf32, #tpu.memory_space<vmem>>, vector<16xf32>,
    %mul3A_149 = arith.mulf %sub3A_141, %get3A_138 : vector<16xf32>
    %mul3A_150 = arith.mulf %sub3A_144, %get3A_136 : vector<16xf32>
    %sub3A_151 = arith.subf %mul3A_149, %mul3A_150 : vector<16xf32>
    %swap3A_152 = arith.constant 80 : index
    %swap3A_153 = tpu.vector_load %arg21[%swap3A_152] {strides = array<i32>} : memref<256xf32, #tpu.memory_space<vmem>>, vector<16xf32>,
    tpu.vector_store %arg21[%swap3A_152], %sub3A_151 {strides = array<i32>} : memref<256xf32, #tpu.memory_space<vmem>>, vector<16xf32>,
    %mul3A_154 = arith.mulf %sub3A_141, %sub3A_141 : vector<16xf32>
    %mul3A_155 = arith.mulf %sub3A_144, %sub3A_144 : vector<16xf32>
    %add3A_156 = arith.addf %mul3A_154, %mul3A_155 : vector<16xf32>
    %mul3A_157 = arith.constant 2.500000e+01 : f32
    %mul3A_158 = vector.broadcast %mul3A_157 : f32 to vector<16xf32>
    %mul3A_159 = arith.mulf %mul3A_158, %add3A_156 : vector<16xf32>
    %swap3A_160 = arith.constant 80 : index
    %swap3A_161 = tpu.vector_load %arg22[%swap3A_160] {strides = array<i32>} : memref<256xf32, #tpu.memory_space<vmem>>, vector<16xf32>,
    tpu.vector_store %arg22[%swap3A_160], %mul3A_159 {strides = array<i32>} : memref<256xf32, #tpu.memory_space<vmem>>, vector<16xf32>,
    %get3A_162 = arith.constant 96 : index
    %get3A_163 = tpu.vector_load %arg15[%get3A_162] {strides = array<i32>} : memref<256xf32, #tpu.memory_space<vmem>>, vector<16xf32>,
    %get3A_164 = arith.constant 96 : index
    %get3A_165 = tpu.vector_load %arg16[%get3A_164] {strides = array<i32>} : memref<256xf32, #tpu.memory_space<vmem>>, vector<16xf32>,
    %get3A_166 = arith.constant 96 : index
    %get3A_167 = tpu.vector_load %arg17[%get3A_166] {strides = array<i32>} : memref<256xf32, #tpu.memory_space<vmem>>, vector<16xf32>,
    %sub3A_168 = arith.subf %get3A_167, %get3A_163 : vector<16xf32>
    %get3A_169 = arith.constant 96 : index
    %get3A_170 = tpu.vector_load %arg18[%get3A_169] {strides = array<i32>} : memref<256xf32, #tpu.memory_space<vmem>>, vector<16xf32>,
    %sub3A_171 = arith.subf %get3A_170, %get3A_165 : vector<16xf32>
    %swap3A_172 = arith.constant 96 : index
    %swap3A_173 = tpu.vector_load %arg19[%swap3A_172] {strides = array<i32>} : memref<256xf32, #tpu.memory_space<vmem>>, vector<16xf32>,
    tpu.vector_store %arg19[%swap3A_172], %sub3A_168 {strides = array<i32>} : memref<256xf32, #tpu.memory_space<vmem>>, vector<16xf32>,
    %swap3A_174 = arith.constant 96 : index
    %swap3A_175 = tpu.vector_load %arg20[%swap3A_174] {strides = array<i32>} : memref<256xf32, #tpu.memory_space<vmem>>, vector<16xf32>,
    tpu.vector_store %arg20[%swap3A_174], %sub3A_171 {strides = array<i32>} : memref<256xf32, #tpu.memory_space<vmem>>, vector<16xf32>,
    %mul3A_176 = arith.mulf %sub3A_168, %get3A_165 : vector<16xf32>
    %mul3A_177 = arith.mulf %sub3A_171, %get3A_163 : vector<16xf32>
    %sub3A_178 = arith.subf %mul3A_176, %mul3A_177 : vector<16xf32>
    %swap3A_179 = arith.constant 96 : index
    %swap3A_180 = tpu.vector_load %arg21[%swap3A_179] {strides = array<i32>} : memref<256xf32, #tpu.memory_space<vmem>>, vector<16xf32>,
    tpu.vector_store %arg21[%swap3A_179], %sub3A_178 {strides = array<i32>} : memref<256xf32, #tpu.memory_space<vmem>>, vector<16xf32>,
    %mul3A_181 = arith.mulf %sub3A_168, %sub3A_168 : vector<16xf32>
    %mul3A_182 = arith.mulf %sub3A_171, %sub3A_171 : vector<16xf32>
    %add3A_183 = arith.addf %mul3A_181, %mul3A_182 : vector<16xf32>
    %mul3A_184 = arith.constant 2.500000e+01 : f32
    %mul3A_185 = vector.broadcast %mul3A_184 : f32 to vector<16xf32>
    %mul3A_186 = arith.mulf %mul3A_185, %add3A_183 : vector<16xf32>
    %swap3A_187 = arith.constant 96 : index
    %swap3A_188 = tpu.vector_load %arg22[%swap3A_187] {strides = array<i32>} : memref<256xf32, #tpu.memory_space<vmem>>, vector<16xf32>,
    tpu.vector_store %arg22[%swap3A_187], %mul3A_186 {strides = array<i32>} : memref<256xf32, #tpu.memory_space<vmem>>, vector<16xf32>,
    %get3A_189 = arith.constant 112 : index
    %get3A_190 = tpu.vector_load %arg15[%get3A_189] {strides = array<i32>} : memref<256xf32, #tpu.memory_space<vmem>>, vector<16xf32>,
    %get3A_191 = arith.constant 112 : index
    %get3A_192 = tpu.vector_load %arg16[%get3A_191] {strides = array<i32>} : memref<256xf32, #tpu.memory_space<vmem>>, vector<16xf32>,
    %get3A_193 = arith.constant 112 : index
    %get3A_194 = tpu.vector_load %arg17[%get3A_193] {strides = array<i32>} : memref<256xf32, #tpu.memory_space<vmem>>, vector<16xf32>,
    %sub3A_195 = arith.subf %get3A_194, %get3A_190 : vector<16xf32>
    %get3A_196 = arith.constant 112 : index
    %get3A_197 = tpu.vector_load %arg18[%get3A_196] {strides = array<i32>} : memref<256xf32, #tpu.memory_space<vmem>>, vector<16xf32>,
    %sub3A_198 = arith.subf %get3A_197, %get3A_192 : vector<16xf32>
    %swap3A_199 = arith.constant 112 : index
    %swap3A_200 = tpu.vector_load %arg19[%swap3A_199] {strides = array<i32>} : memref<256xf32, #tpu.memory_space<vmem>>, vector<16xf32>,
    tpu.vector_store %arg19[%swap3A_199], %sub3A_195 {strides = array<i32>} : memref<256xf32, #tpu.memory_space<vmem>>, vector<16xf32>,
    %swap3A_201 = arith.constant 112 : index
    %swap3A_202 = tpu.vector_load %arg20[%swap3A_201] {strides = array<i32>} : memref<256xf32, #tpu.memory_space<vmem>>, vector<16xf32>,
    tpu.vector_store %arg20[%swap3A_201], %sub3A_198 {strides = array<i32>} : memref<256xf32, #tpu.memory_space<vmem>>, vector<16xf32>,
    %mul3A_203 = arith.mulf %sub3A_195, %get3A_192 : vector<16xf32>
    %mul3A_204 = arith.mulf %sub3A_198, %get3A_190 : vector<16xf32>
    %sub3A_205 = arith.subf %mul3A_203, %mul3A_204 : vector<16xf32>
    %swap3A_206 = arith.constant 112 : index
    %swap3A_207 = tpu.vector_load %arg21[%swap3A_206] {strides = array<i32>} : memref<256xf32, #tpu.memory_space<vmem>>, vector<16xf32>,
    tpu.vector_store %arg21[%swap3A_206], %sub3A_205 {strides = array<i32>} : memref<256xf32, #tpu.memory_space<vmem>>, vector<16xf32>,
    %mul3A_208 = arith.mulf %sub3A_195, %sub3A_195 : vector<16xf32>
    %mul3A_209 = arith.mulf %sub3A_198, %sub3A_198 : vector<16xf32>
    %add3A_210 = arith.addf %mul3A_208, %mul3A_209 : vector<16xf32>
    %mul3A_211 = arith.constant 2.500000e+01 : f32
    %mul3A_212 = vector.broadcast %mul3A_211 : f32 to vector<16xf32>
    %mul3A_213 = arith.mulf %mul3A_212, %add3A_210 : vector<16xf32>
    %swap3A_214 = arith.constant 112 : index
    %swap3A_215 = tpu.vector_load %arg22[%swap3A_214] {strides = array<i32>} : memref<256xf32, #tpu.memory_space<vmem>>, vector<16xf32>,
    tpu.vector_store %arg22[%swap3A_214], %mul3A_213 {strides = array<i32>} : memref<256xf32, #tpu.memory_space<vmem>>, vector<16xf32>,
    %get3A_216 = arith.constant 128 : index
    %get3A_217 = tpu.vector_load %arg15[%get3A_216] {strides = array<i32>} : memref<256xf32, #tpu.memory_space<vmem>>, vector<16xf32>,
    %get3A_218 = arith.constant 128 : index
    %get3A_219 = tpu.vector_load %arg16[%get3A_218] {strides = array<i32>} : memref<256xf32, #tpu.memory_space<vmem>>, vector<16xf32>,
    %get3A_220 = arith.constant 128 : index
    %get3A_221 = tpu.vector_load %arg17[%get3A_220] {strides = array<i32>} : memref<256xf32, #tpu.memory_space<vmem>>, vector<16xf32>,
    %sub3A_222 = arith.subf %get3A_221, %get3A_217 : vector<16xf32>
    %get3A_223 = arith.constant 128 : index
    %get3A_224 = tpu.vector_load %arg18[%get3A_223] {strides = array<i32>} : memref<256xf32, #tpu.memory_space<vmem>>, vector<16xf32>,
    %sub3A_225 = arith.subf %get3A_224, %get3A_219 : vector<16xf32>
    %swap3A_226 = arith.constant 128 : index
    %swap3A_227 = tpu.vector_load %arg19[%swap3A_226] {strides = array<i32>} : memref<256xf32, #tpu.memory_space<vmem>>, vector<16xf32>,
    tpu.vector_store %arg19[%swap3A_226], %sub3A_222 {strides = array<i32>} : memref<256xf32, #tpu.memory_space<vmem>>, vector<16xf32>,
    %swap3A_228 = arith.constant 128 : index
    %swap3A_229 = tpu.vector_load %arg20[%swap3A_228] {strides = array<i32>} : memref<256xf32, #tpu.memory_space<vmem>>, vector<16xf32>,
    tpu.vector_store %arg20[%swap3A_228], %sub3A_225 {strides = array<i32>} : memref<256xf32, #tpu.memory_space<vmem>>, vector<16xf32>,
    %mul3A_230 = arith.mulf %sub3A_222, %get3A_219 : vector<16xf32>
    %mul3A_231 = arith.mulf %sub3A_225, %get3A_217 : vector<16xf32>
    %sub3A_232 = arith.subf %mul3A_230, %mul3A_231 : vector<16xf32>
    %swap3A_233 = arith.constant 128 : index
    %swap3A_234 = tpu.vector_load %arg21[%swap3A_233] {strides = array<i32>} : memref<256xf32, #tpu.memory_space<vmem>>, vector<16xf32>,
    tpu.vector_store %arg21[%swap3A_233], %sub3A_232 {strides = array<i32>} : memref<256xf32, #tpu.memory_space<vmem>>, vector<16xf32>,
    %mul3A_235 = arith.mulf %sub3A_222, %sub3A_222 : vector<16xf32>
    %mul3A_236 = arith.mulf %sub3A_225, %sub3A_225 : vector<16xf32>
    %add3A_237 = arith.addf %mul3A_235, %mul3A_236 : vector<16xf32>
    %mul3A_238 = arith.constant 2.500000e+01 : f32
    %mul3A_239 = vector.broadcast %mul3A_238 : f32 to vector<16xf32>
    %mul3A_240 = arith.mulf %mul3A_239, %add3A_237 : vector<16xf32>
    %swap3A_241 = arith.constant 128 : index
    %swap3A_242 = tpu.vector_load %arg22[%swap3A_241] {strides = array<i32>} : memref<256xf32, #tpu.memory_space<vmem>>, vector<16xf32>,
    tpu.vector_store %arg22[%swap3A_241], %mul3A_240 {strides = array<i32>} : memref<256xf32, #tpu.memory_space<vmem>>, vector<16xf32>,
    %get3A_243 = arith.constant 144 : index
    %get3A_244 = tpu.vector_load %arg15[%get3A_243] {strides = array<i32>} : memref<256xf32, #tpu.memory_space<vmem>>, vector<16xf32>,
    %get3A_245 = arith.constant 144 : index
    %get3A_246 = tpu.vector_load %arg16[%get3A_245] {strides = array<i32>} : memref<256xf32, #tpu.memory_space<vmem>>, vector<16xf32>,
    %get3A_247 = arith.constant 144 : index
    %get3A_248 = tpu.vector_load %arg17[%get3A_247] {strides = array<i32>} : memref<256xf32, #tpu.memory_space<vmem>>, vector<16xf32>,
    %sub3A_249 = arith.subf %get3A_248, %get3A_244 : vector<16xf32>
    %get3A_250 = arith.constant 144 : index
    %get3A_251 = tpu.vector_load %arg18[%get3A_250] {strides = array<i32>} : memref<256xf32, #tpu.memory_space<vmem>>, vector<16xf32>,
    %sub3A_252 = arith.subf %get3A_251, %get3A_246 : vector<16xf32>
    %swap3A_253 = arith.constant 144 : index
    %swap3A_254 = tpu.vector_load %arg19[%swap3A_253] {strides = array<i32>} : memref<256xf32, #tpu.memory_space<vmem>>, vector<16xf32>,
    tpu.vector_store %arg19[%swap3A_253], %sub3A_249 {strides = array<i32>} : memref<256xf32, #tpu.memory_space<vmem>>, vector<16xf32>,
    %swap3A_255 = arith.constant 144 : index
    %swap3A_256 = tpu.vector_load %arg20[%swap3A_255] {strides = array<i32>} : memref<256xf32, #tpu.memory_space<vmem>>, vector<16xf32>,
    tpu.vector_store %arg20[%swap3A_255], %sub3A_252 {strides = array<i32>} : memref<256xf32, #tpu.memory_space<vmem>>, vector<16xf32>,
    %mul3A_257 = arith.mulf %sub3A_249, %get3A_246 : vector<16xf32>
    %mul3A_258 = arith.mulf %sub3A_252, %get3A_244 : vector<16xf32>
    %sub3A_259 = arith.subf %mul3A_257, %mul3A_258 : vector<16xf32>
    %swap3A_260 = arith.constant 144 : index
    %swap3A_261 = tpu.vector_load %arg21[%swap3A_260] {strides = array<i32>} : memref<256xf32, #tpu.memory_space<vmem>>, vector<16xf32>,
    tpu.vector_store %arg21[%swap3A_260], %sub3A_259 {strides = array<i32>} : memref<256xf32, #tpu.memory_space<vmem>>, vector<16xf32>,
    %mul3A_262 = arith.mulf %sub3A_249, %sub3A_249 : vector<16xf32>
    %mul3A_263 = arith.mulf %sub3A_252, %sub3A_252 : vector<16xf32>
    %add3A_264 = arith.addf %mul3A_262, %mul3A_263 : vector<16xf32>
    %mul3A_265 = arith.constant 2.500000e+01 : f32
    %mul3A_266 = vector.broadcast %mul3A_265 : f32 to vector<16xf32>
    %mul3A_267 = arith.mulf %mul3A_266, %add3A_264 : vector<16xf32>
    %swap3A_268 = arith.constant 144 : index
    %swap3A_269 = tpu.vector_load %arg22[%swap3A_268] {strides = array<i32>} : memref<256xf32, #tpu.memory_space<vmem>>, vector<16xf32>,
    tpu.vector_store %arg22[%swap3A_268], %mul3A_267 {strides = array<i32>} : memref<256xf32, #tpu.memory_space<vmem>>, vector<16xf32>,
    %get3A_270 = arith.constant 160 : index
    %get3A_271 = tpu.vector_load %arg15[%get3A_270] {strides = array<i32>} : memref<256xf32, #tpu.memory_space<vmem>>, vector<16xf32>,
    %get3A_272 = arith.constant 160 : index
    %get3A_273 = tpu.vector_load %arg16[%get3A_272] {strides = array<i32>} : memref<256xf32, #tpu.memory_space<vmem>>, vector<16xf32>,
    %get3A_274 = arith.constant 160 : index
    %get3A_275 = tpu.vector_load %arg17[%get3A_274] {strides = array<i32>} : memref<256xf32, #tpu.memory_space<vmem>>, vector<16xf32>,
    %sub3A_276 = arith.subf %get3A_275, %get3A_271 : vector<16xf32>
    %get3A_277 = arith.constant 160 : index
    %get3A_278 = tpu.vector_load %arg18[%get3A_277] {strides = array<i32>} : memref<256xf32, #tpu.memory_space<vmem>>, vector<16xf32>,
    %sub3A_279 = arith.subf %get3A_278, %get3A_273 : vector<16xf32>
    %swap3A_280 = arith.constant 160 : index
    %swap3A_281 = tpu.vector_load %arg19[%swap3A_280] {strides = array<i32>} : memref<256xf32, #tpu.memory_space<vmem>>, vector<16xf32>,
    tpu.vector_store %arg19[%swap3A_280], %sub3A_276 {strides = array<i32>} : memref<256xf32, #tpu.memory_space<vmem>>, vector<16xf32>,
    %swap3A_282 = arith.constant 160 : index
    %swap3A_283 = tpu.vector_load %arg20[%swap3A_282] {strides = array<i32>} : memref<256xf32, #tpu.memory_space<vmem>>, vector<16xf32>,
    tpu.vector_store %arg20[%swap3A_282], %sub3A_279 {strides = array<i32>} : memref<256xf32, #tpu.memory_space<vmem>>, vector<16xf32>,
    %mul3A_284 = arith.mulf %sub3A_276, %get3A_273 : vector<16xf32>
    %mul3A_285 = arith.mulf %sub3A_279, %get3A_271 : vector<16xf32>
    %sub3A_286 = arith.subf %mul3A_284, %mul3A_285 : vector<16xf32>
    %swap3A_287 = arith.constant 160 : index
    %swap3A_288 = tpu.vector_load %arg21[%swap3A_287] {strides = array<i32>} : memref<256xf32, #tpu.memory_space<vmem>>, vector<16xf32>,
    tpu.vector_store %arg21[%swap3A_287], %sub3A_286 {strides = array<i32>} : memref<256xf32, #tpu.memory_space<vmem>>, vector<16xf32>,
    %mul3A_289 = arith.mulf %sub3A_276, %sub3A_276 : vector<16xf32>
    %mul3A_290 = arith.mulf %sub3A_279, %sub3A_279 : vector<16xf32>
    %add3A_291 = arith.addf %mul3A_289, %mul3A_290 : vector<16xf32>
    %mul3A_292 = arith.constant 2.500000e+01 : f32
    %mul3A_293 = vector.broadcast %mul3A_292 : f32 to vector<16xf32>
    %mul3A_294 = arith.mulf %mul3A_293, %add3A_291 : vector<16xf32>
    %swap3A_295 = arith.constant 160 : index
    %swap3A_296 = tpu.vector_load %arg22[%swap3A_295] {strides = array<i32>} : memref<256xf32, #tpu.memory_space<vmem>>, vector<16xf32>,
    tpu.vector_store %arg22[%swap3A_295], %mul3A_294 {strides = array<i32>} : memref<256xf32, #tpu.memory_space<vmem>>, vector<16xf32>,
    %get3A_297 = arith.constant 176 : index
    %get3A_298 = tpu.vector_load %arg15[%get3A_297] {strides = array<i32>} : memref<256xf32, #tpu.memory_space<vmem>>, vector<16xf32>,
    %get3A_299 = arith.constant 176 : index
    %get3A_300 = tpu.vector_load %arg16[%get3A_299] {strides = array<i32>} : memref<256xf32, #tpu.memory_space<vmem>>, vector<16xf32>,
    %get3A_301 = arith.constant 176 : index
    %get3A_302 = tpu.vector_load %arg17[%get3A_301] {strides = array<i32>} : memref<256xf32, #tpu.memory_space<vmem>>, vector<16xf32>,
    %sub3A_303 = arith.subf %get3A_302, %get3A_298 : vector<16xf32>
    %get3A_304 = arith.constant 176 : index
    %get3A_305 = tpu.vector_load %arg18[%get3A_304] {strides = array<i32>} : memref<256xf32, #tpu.memory_space<vmem>>, vector<16xf32>,
    %sub3A_306 = arith.subf %get3A_305, %get3A_300 : vector<16xf32>
    %swap3A_307 = arith.constant 176 : index
    %swap3A_308 = tpu.vector_load %arg19[%swap3A_307] {strides = array<i32>} : memref<256xf32, #tpu.memory_space<vmem>>, vector<16xf32>,
    tpu.vector_store %arg19[%swap3A_307], %sub3A_303 {strides = array<i32>} : memref<256xf32, #tpu.memory_space<vmem>>, vector<16xf32>,
    %swap3A_309 = arith.constant 176 : index
    %swap3A_310 = tpu.vector_load %arg20[%swap3A_309] {strides = array<i32>} : memref<256xf32, #tpu.memory_space<vmem>>, vector<16xf32>,
    tpu.vector_store %arg20[%swap3A_309], %sub3A_306 {strides = array<i32>} : memref<256xf32, #tpu.memory_space<vmem>>, vector<16xf32>,
    %mul3A_311 = arith.mulf %sub3A_303, %get3A_300 : vector<16xf32>
    %mul3A_312 = arith.mulf %sub3A_306, %get3A_298 : vector<16xf32>
    %sub3A_313 = arith.subf %mul3A_311, %mul3A_312 : vector<16xf32>
    %swap3A_314 = arith.constant 176 : index
    %swap3A_315 = tpu.vector_load %arg21[%swap3A_314] {strides = array<i32>} : memref<256xf32, #tpu.memory_space<vmem>>, vector<16xf32>,
    tpu.vector_store %arg21[%swap3A_314], %sub3A_313 {strides = array<i32>} : memref<256xf32, #tpu.memory_space<vmem>>, vector<16xf32>,
    %mul3A_316 = arith.mulf %sub3A_303, %sub3A_303 : vector<16xf32>
    %mul3A_317 = arith.mulf %sub3A_306, %sub3A_306 : vector<16xf32>
    %add3A_318 = arith.addf %mul3A_316, %mul3A_317 : vector<16xf32>
    %mul3A_319 = arith.constant 2.500000e+01 : f32
    %mul3A_320 = vector.broadcast %mul3A_319 : f32 to vector<16xf32>
    %mul3A_321 = arith.mulf %mul3A_320, %add3A_318 : vector<16xf32>
    %swap3A_322 = arith.constant 176 : index
    %swap3A_323 = tpu.vector_load %arg22[%swap3A_322] {strides = array<i32>} : memref<256xf32, #tpu.memory_space<vmem>>, vector<16xf32>,
    tpu.vector_store %arg22[%swap3A_322], %mul3A_321 {strides = array<i32>} : memref<256xf32, #tpu.memory_space<vmem>>, vector<16xf32>,
    %get3A_324 = arith.constant 192 : index
    %get3A_325 = tpu.vector_load %arg15[%get3A_324] {strides = array<i32>} : memref<256xf32, #tpu.memory_space<vmem>>, vector<16xf32>,
    %get3A_326 = arith.constant 192 : index
    %get3A_327 = tpu.vector_load %arg16[%get3A_326] {strides = array<i32>} : memref<256xf32, #tpu.memory_space<vmem>>, vector<16xf32>,
    %get3A_328 = arith.constant 192 : index
    %get3A_329 = tpu.vector_load %arg17[%get3A_328] {strides = array<i32>} : memref<256xf32, #tpu.memory_space<vmem>>, vector<16xf32>,
    %sub3A_330 = arith.subf %get3A_329, %get3A_325 : vector<16xf32>
    %get3A_331 = arith.constant 192 : index
    %get3A_332 = tpu.vector_load %arg18[%get3A_331] {strides = array<i32>} : memref<256xf32, #tpu.memory_space<vmem>>, vector<16xf32>,
    %sub3A_333 = arith.subf %get3A_332, %get3A_327 : vector<16xf32>
    %swap3A_334 = arith.constant 192 : index
    %swap3A_335 = tpu.vector_load %arg19[%swap3A_334] {strides = array<i32>} : memref<256xf32, #tpu.memory_space<vmem>>, vector<16xf32>,
    tpu.vector_store %arg19[%swap3A_334], %sub3A_330 {strides = array<i32>} : memref<256xf32, #tpu.memory_space<vmem>>, vector<16xf32>,
    %swap3A_336 = arith.constant 192 : index
    %swap3A_337 = tpu.vector_load %arg20[%swap3A_336] {strides = array<i32>} : memref<256xf32, #tpu.memory_space<vmem>>, vector<16xf32>,
    tpu.vector_store %arg20[%swap3A_336], %sub3A_333 {strides = array<i32>} : memref<256xf32, #tpu.memory_space<vmem>>, vector<16xf32>,
    %mul3A_338 = arith.mulf %sub3A_330, %get3A_327 : vector<16xf32>
    %mul3A_339 = arith.mulf %sub3A_333, %get3A_325 : vector<16xf32>
    %sub3A_340 = arith.subf %mul3A_338, %mul3A_339 : vector<16xf32>
    %swap3A_341 = arith.constant 192 : index
    %swap3A_342 = tpu.vector_load %arg21[%swap3A_341] {strides = array<i32>} : memref<256xf32, #tpu.memory_space<vmem>>, vector<16xf32>,
    tpu.vector_store %arg21[%swap3A_341], %sub3A_340 {strides = array<i32>} : memref<256xf32, #tpu.memory_space<vmem>>, vector<16xf32>,
    %mul3A_343 = arith.mulf %sub3A_330, %sub3A_330 : vector<16xf32>
    %mul3A_344 = arith.mulf %sub3A_333, %sub3A_333 : vector<16xf32>
    %add3A_345 = arith.addf %mul3A_343, %mul3A_344 : vector<16xf32>
    %mul3A_346 = arith.constant 2.500000e+01 : f32
    %mul3A_347 = vector.broadcast %mul3A_346 : f32 to vector<16xf32>
    %mul3A_348 = arith.mulf %mul3A_347, %add3A_345 : vector<16xf32>
    %swap3A_349 = arith.constant 192 : index
    %swap3A_350 = tpu.vector_load %arg22[%swap3A_349] {strides = array<i32>} : memref<256xf32, #tpu.memory_space<vmem>>, vector<16xf32>,
    tpu.vector_store %arg22[%swap3A_349], %mul3A_348 {strides = array<i32>} : memref<256xf32, #tpu.memory_space<vmem>>, vector<16xf32>,
    %get3A_351 = arith.constant 208 : index
    %get3A_352 = tpu.vector_load %arg15[%get3A_351] {strides = array<i32>} : memref<256xf32, #tpu.memory_space<vmem>>, vector<16xf32>,
    %get3A_353 = arith.constant 208 : index
    %get3A_354 = tpu.vector_load %arg16[%get3A_353] {strides = array<i32>} : memref<256xf32, #tpu.memory_space<vmem>>, vector<16xf32>,
    %get3A_355 = arith.constant 208 : index
    %get3A_356 = tpu.vector_load %arg17[%get3A_355] {strides = array<i32>} : memref<256xf32, #tpu.memory_space<vmem>>, vector<16xf32>,
    %sub3A_357 = arith.subf %get3A_356, %get3A_352 : vector<16xf32>
    %get3A_358 = arith.constant 208 : index
    %get3A_359 = tpu.vector_load %arg18[%get3A_358] {strides = array<i32>} : memref<256xf32, #tpu.memory_space<vmem>>, vector<16xf32>,
    %sub3A_360 = arith.subf %get3A_359, %get3A_354 : vector<16xf32>
    %swap3A_361 = arith.constant 208 : index
    %swap3A_362 = tpu.vector_load %arg19[%swap3A_361] {strides = array<i32>} : memref<256xf32, #tpu.memory_space<vmem>>, vector<16xf32>,
    tpu.vector_store %arg19[%swap3A_361], %sub3A_357 {strides = array<i32>} : memref<256xf32, #tpu.memory_space<vmem>>, vector<16xf32>,
    %swap3A_363 = arith.constant 208 : index
    %swap3A_364 = tpu.vector_load %arg20[%swap3A_363] {strides = array<i32>} : memref<256xf32, #tpu.memory_space<vmem>>, vector<16xf32>,
    tpu.vector_store %arg20[%swap3A_363], %sub3A_360 {strides = array<i32>} : memref<256xf32, #tpu.memory_space<vmem>>, vector<16xf32>,
    %mul3A_365 = arith.mulf %sub3A_357, %get3A_354 : vector<16xf32>
    %mul3A_366 = arith.mulf %sub3A_360, %get3A_352 : vector<16xf32>
    %sub3A_367 = arith.subf %mul3A_365, %mul3A_366 : vector<16xf32>
    %swap3A_368 = arith.constant 208 : index
    %swap3A_369 = tpu.vector_load %arg21[%swap3A_368] {strides = array<i32>} : memref<256xf32, #tpu.memory_space<vmem>>, vector<16xf32>,
    tpu.vector_store %arg21[%swap3A_368], %sub3A_367 {strides = array<i32>} : memref<256xf32, #tpu.memory_space<vmem>>, vector<16xf32>,
    %mul3A_370 = arith.mulf %sub3A_357, %sub3A_357 : vector<16xf32>
    %mul3A_371 = arith.mulf %sub3A_360, %sub3A_360 : vector<16xf32>
    %add3A_372 = arith.addf %mul3A_370, %mul3A_371 : vector<16xf32>
    %mul3A_373 = arith.constant 2.500000e+01 : f32
    %mul3A_374 = vector.broadcast %mul3A_373 : f32 to vector<16xf32>
    %mul3A_375 = arith.mulf %mul3A_374, %add3A_372 : vector<16xf32>
    %swap3A_376 = arith.constant 208 : index
    %swap3A_377 = tpu.vector_load %arg22[%swap3A_376] {strides = array<i32>} : memref<256xf32, #tpu.memory_space<vmem>>, vector<16xf32>,
    tpu.vector_store %arg22[%swap3A_376], %mul3A_375 {strides = array<i32>} : memref<256xf32, #tpu.memory_space<vmem>>, vector<16xf32>,
    %get3A_378 = arith.constant 224 : index
    %get3A_379 = tpu.vector_load %arg15[%get3A_378] {strides = array<i32>} : memref<256xf32, #tpu.memory_space<vmem>>, vector<16xf32>,
    %get3A_380 = arith.constant 224 : index
    %get3A_381 = tpu.vector_load %arg16[%get3A_380] {strides = array<i32>} : memref<256xf32, #tpu.memory_space<vmem>>, vector<16xf32>,
    %get3A_382 = arith.constant 224 : index
    %get3A_383 = tpu.vector_load %arg17[%get3A_382] {strides = array<i32>} : memref<256xf32, #tpu.memory_space<vmem>>, vector<16xf32>,
    %sub3A_384 = arith.subf %get3A_383, %get3A_379 : vector<16xf32>
    %get3A_385 = arith.constant 224 : index
    %get3A_386 = tpu.vector_load %arg18[%get3A_385] {strides = array<i32>} : memref<256xf32, #tpu.memory_space<vmem>>, vector<16xf32>,
    %sub3A_387 = arith.subf %get3A_386, %get3A_381 : vector<16xf32>
    %swap3A_388 = arith.constant 224 : index
    %swap3A_389 = tpu.vector_load %arg19[%swap3A_388] {strides = array<i32>} : memref<256xf32, #tpu.memory_space<vmem>>, vector<16xf32>,
    tpu.vector_store %arg19[%swap3A_388], %sub3A_384 {strides = array<i32>} : memref<256xf32, #tpu.memory_space<vmem>>, vector<16xf32>,
    %swap3A_390 = arith.constant 224 : index
    %swap3A_391 = tpu.vector_load %arg20[%swap3A_390] {strides = array<i32>} : memref<256xf32, #tpu.memory_space<vmem>>, vector<16xf32>,
    tpu.vector_store %arg20[%swap3A_390], %sub3A_387 {strides = array<i32>} : memref<256xf32, #tpu.memory_space<vmem>>, vector<16xf32>,
    %mul3A_392 = arith.mulf %sub3A_384, %get3A_381 : vector<16xf32>
    %mul3A_393 = arith.mulf %sub3A_387, %get3A_379 : vector<16xf32>
    %sub3A_394 = arith.subf %mul3A_392, %mul3A_393 : vector<16xf32>
    %swap3A_395 = arith.constant 224 : index
    %swap3A_396 = tpu.vector_load %arg21[%swap3A_395] {strides = array<i32>} : memref<256xf32, #tpu.memory_space<vmem>>, vector<16xf32>,
    tpu.vector_store %arg21[%swap3A_395], %sub3A_394 {strides = array<i32>} : memref<256xf32, #tpu.memory_space<vmem>>, vector<16xf32>,
    %mul3A_397 = arith.mulf %sub3A_384, %sub3A_384 : vector<16xf32>
    %mul3A_398 = arith.mulf %sub3A_387, %sub3A_387 : vector<16xf32>
    %add3A_399 = arith.addf %mul3A_397, %mul3A_398 : vector<16xf32>
    %mul3A_400 = arith.constant 2.500000e+01 : f32
    %mul3A_401 = vector.broadcast %mul3A_400 : f32 to vector<16xf32>
    %mul3A_402 = arith.mulf %mul3A_401, %add3A_399 : vector<16xf32>
    %swap3A_403 = arith.constant 224 : index
    %swap3A_404 = tpu.vector_load %arg22[%swap3A_403] {strides = array<i32>} : memref<256xf32, #tpu.memory_space<vmem>>, vector<16xf32>,
    tpu.vector_store %arg22[%swap3A_403], %mul3A_402 {strides = array<i32>} : memref<256xf32, #tpu.memory_space<vmem>>, vector<16xf32>,
    %get3A_405 = arith.constant 240 : index
    %get3A_406 = tpu.vector_load %arg15[%get3A_405] {strides = array<i32>} : memref<256xf32, #tpu.memory_space<vmem>>, vector<16xf32>,
    %get3A_407 = arith.constant 240 : index
    %get3A_408 = tpu.vector_load %arg16[%get3A_407] {strides = array<i32>} : memref<256xf32, #tpu.memory_space<vmem>>, vector<16xf32>,
    %get3A_409 = arith.constant 240 : index
    %get3A_410 = tpu.vector_load %arg17[%get3A_409] {strides = array<i32>} : memref<256xf32, #tpu.memory_space<vmem>>, vector<16xf32>,
    %sub3A_411 = arith.subf %get3A_410, %get3A_406 : vector<16xf32>
    %get3A_412 = arith.constant 240 : index
    %get3A_413 = tpu.vector_load %arg18[%get3A_412] {strides = array<i32>} : memref<256xf32, #tpu.memory_space<vmem>>, vector<16xf32>,
    %sub3A_414 = arith.subf %get3A_413, %get3A_408 : vector<16xf32>
    %swap3A_415 = arith.constant 240 : index
    %swap3A_416 = tpu.vector_load %arg19[%swap3A_415] {strides = array<i32>} : memref<256xf32, #tpu.memory_space<vmem>>, vector<16xf32>,
    tpu.vector_store %arg19[%swap3A_415], %sub3A_411 {strides = array<i32>} : memref<256xf32, #tpu.memory_space<vmem>>, vector<16xf32>,
    %swap3A_417 = arith.constant 240 : index
    %swap3A_418 = tpu.vector_load %arg20[%swap3A_417] {strides = array<i32>} : memref<256xf32, #tpu.memory_space<vmem>>, vector<16xf32>,
    tpu.vector_store %arg20[%swap3A_417], %sub3A_414 {strides = array<i32>} : memref<256xf32, #tpu.memory_space<vmem>>, vector<16xf32>,
    %mul3A_419 = arith.mulf %sub3A_411, %get3A_408 : vector<16xf32>
    %mul3A_420 = arith.mulf %sub3A_414, %get3A_406 : vector<16xf32>
    %sub3A_421 = arith.subf %mul3A_419, %mul3A_420 : vector<16xf32>
    %swap3A_422 = arith.constant 240 : index
    %swap3A_423 = tpu.vector_load %arg21[%swap3A_422] {strides = array<i32>} : memref<256xf32, #tpu.memory_space<vmem>>, vector<16xf32>,
    tpu.vector_store %arg21[%swap3A_422], %sub3A_421 {strides = array<i32>} : memref<256xf32, #tpu.memory_space<vmem>>, vector<16xf32>,
    %mul3A_424 = arith.mulf %sub3A_411, %sub3A_411 : vector<16xf32>
    %mul3A_425 = arith.mulf %sub3A_414, %sub3A_414 : vector<16xf32>
    %add3A_426 = arith.addf %mul3A_424, %mul3A_425 : vector<16xf32>
    %mul3A_427 = arith.constant 2.500000e+01 : f32
    %mul3A_428 = vector.broadcast %mul3A_427 : f32 to vector<16xf32>
    %mul3A_429 = arith.mulf %mul3A_428, %add3A_426 : vector<16xf32>
    %swap3A_430 = arith.constant 240 : index
    %swap3A_431 = tpu.vector_load %arg22[%swap3A_430] {strides = array<i32>} : memref<256xf32, #tpu.memory_space<vmem>>, vector<16xf32>,
    tpu.vector_store %arg22[%swap3A_430], %mul3A_429 {strides = array<i32>} : memref<256xf32, #tpu.memory_space<vmem>>, vector<16xf32>,
    %broadcast_in_dim3A = arith.constant 1 : i32
    %broadcast_in_dim3A_432 = vector.broadcast %broadcast_in_dim3A : i32 to vector<16xi32>
    %broadcast_in_dim3A_433 = arith.constant 0 : i32
    %broadcast_in_dim3A_434 = vector.broadcast %broadcast_in_dim3A_433 : i32 to vector<16xi32>
    %scan3A = arith.constant 0 : i32
    %scan3A_435 = arith.constant 0.0310912039 : f32
    %scan3A_436 = arith.constant 0 : i32
    %scan3A_437 = arith.constant 8 : i32
    %scan3A_438 = arith.addi %scan3A_436, %scan3A_437 : i32
    %scan3A_439 = arith.constant 1 : i32
    scf.for %scan3A_441 = %scan3A_436 to %scan3A_438 step %scan3A_439  : i32 {
      %mul3A_442 = arith.constant 2 : i32
      %mul3A_443 = arith.muli %scan3A_441, %mul3A_442 : i32
      %add3A_444 = arith.constant 0 : i32
      %add3A_445 = arith.addi %mul3A_443, %add3A_444 : i32
      %mul3A_446 = arith.constant 16 : i32
      %mul3A_447 = arith.muli %add3A_445, %mul3A_446 : i32
      %mul3A_448 = arith.constant 2 : i32
      %mul3A_449 = arith.muli %scan3A_441, %mul3A_448 : i32
      %add3A_450 = arith.constant 1 : i32
      %add3A_451 = arith.addi %mul3A_449, %add3A_450 : i32
      %mul3A_452 = arith.constant 16 : i32
      %mul3A_453 = arith.muli %add3A_451, %mul3A_452 : i32
      %get3A_454 = arith.index_cast %mul3A_447 : i32 to index
      %get3A_455 = tpu.vector_load %arg11[%get3A_454] {strides = array<i32>} : memref<256xf32, #tpu.memory_space<vmem>>, vector<16xf32>,
      %get3A_456 = arith.index_cast %mul3A_447 : i32 to index
      %get3A_457 = tpu.vector_load %arg12[%get3A_456] {strides = array<i32>} : memref<256xf32, #tpu.memory_space<vmem>>, vector<16xf32>,
      %get3A_458 = arith.index_cast %mul3A_447 : i32 to index
      %get3A_459 = tpu.vector_load %arg13[%get3A_458] {strides = array<i32>} : memref<256xf32, #tpu.memory_space<vmem>>, vector<16xf32>,
      %sub3A_460 = arith.subf %get3A_459, %get3A_455 : vector<16xf32>
      %get3A_461 = arith.index_cast %mul3A_447 : i32 to index
      %get3A_462 = tpu.vector_load %arg14[%get3A_461] {strides = array<i32>} : memref<256xf32, #tpu.memory_space<vmem>>, vector<16xf32>,
      %sub3A_463 = arith.subf %get3A_462, %get3A_457 : vector<16xf32>
      %get3A_464 = arith.index_cast %mul3A_453 : i32 to index
      %get3A_465 = tpu.vector_load %arg11[%get3A_464] {strides = array<i32>} : memref<256xf32, #tpu.memory_space<vmem>>, vector<16xf32>,
      %get3A_466 = arith.index_cast %mul3A_453 : i32 to index
      %get3A_467 = tpu.vector_load %arg12[%get3A_466] {strides = array<i32>} : memref<256xf32, #tpu.memory_space<vmem>>, vector<16xf32>,
      %get3A_468 = arith.index_cast %mul3A_453 : i32 to index
      %get3A_469 = tpu.vector_load %arg13[%get3A_468] {strides = array<i32>} : memref<256xf32, #tpu.memory_space<vmem>>, vector<16xf32>,
      %sub3A_470 = arith.subf %get3A_469, %get3A_465 : vector<16xf32>
      %get3A_471 = arith.index_cast %mul3A_453 : i32 to index
      %get3A_472 = tpu.vector_load %arg14[%get3A_471] {strides = array<i32>} : memref<256xf32, #tpu.memory_space<vmem>>, vector<16xf32>,
      %sub3A_473 = arith.subf %get3A_472, %get3A_467 : vector<16xf32>
      %scan3A_474 = arith.constant 0 : i32
      %scan3A_475 = arith.constant 256 : i32
      %scan3A_476 = arith.addi %scan3A_474, %scan3A_475 : i32
      %scan3A_477 = arith.constant 8 : i32
      %scan3A_478:3 = scf.for %scan3A_484 = %scan3A_474 to %scan3A_476 step %scan3A_477 iter_args(%scan3A_485 = %broadcast_in_dim3A_434, %scan3A_486 = %broadcast_in_dim3A_434, %scan3A_487 = %broadcast_in_dim3A_434) -> (vector<16xi32>, vector<16xi32>, vector<16xi32>)  : i32 {
        %gather3A = tpu.vector_load_idx %arg19[%scan3A_485] : memref<256xf32, #tpu.memory_space<vmem>>[vector<16xi32>], vector<16xf32>,
        %gather3A_488 = tpu.vector_load_idx %arg20[%scan3A_485] : memref<256xf32, #tpu.memory_space<vmem>>[vector<16xi32>], vector<16xf32>,
        %gather3A_489 = tpu.vector_load_idx %arg21[%scan3A_485] : memref<256xf32, #tpu.memory_space<vmem>>[vector<16xi32>], vector<16xf32>,
        %gather3A_490 = tpu.vector_load_idx %arg22[%scan3A_485] : memref<256xf32, #tpu.memory_space<vmem>>[vector<16xi32>], vector<16xf32>,
        %mul3A_491 = arith.mulf %gather3A, %get3A_457 : vector<16xf32>
        %mul3A_492 = arith.mulf %gather3A_488, %get3A_455 : vector<16xf32>
        %sub3A_493 = arith.subf %mul3A_491, %mul3A_492 : vector<16xf32>
        %sub3A_494 = arith.subf %sub3A_493, %gather3A_489 : vector<16xf32>
        %mul3A_495 = arith.mulf %sub3A_460, %gather3A_488 : vector<16xf32>
        %mul3A_496 = arith.mulf %sub3A_463, %gather3A : vector<16xf32>
        %sub3A_497 = arith.subf %mul3A_495, %mul3A_496 : vector<16xf32>
        %sub3A_498 = arith.subf %sub3A_494, %sub3A_497 : vector<16xf32>
        %mul3A_499 = arith.mulf %sub3A_460, %gather3A : vector<16xf32>
        %mul3A_500 = arith.mulf %sub3A_463, %gather3A_488 : vector<16xf32>
        %add3A_501 = arith.addf %mul3A_499, %mul3A_500 : vector<16xf32>
        %mul3A_502 = arith.mulf %sub3A_494, %sub3A_494 : vector<16xf32>
        %le3A = arith.cmpf ole, %mul3A_502, %gather3A_490 : vector<16xf32>
        %mul3A_503 = arith.mulf %sub3A_498, %sub3A_498 : vector<16xf32>
        %le3A_504 = arith.cmpf ole, %mul3A_503, %gather3A_490 : vector<16xf32>
        %and3A = arith.andi %le3A, %le3A_504 : vector<16xi1>
        %mul3A_505 = arith.mulf %sub3A_497, %sub3A_497 : vector<16xf32>
        %mul3A_506 = arith.mulf %add3A_501, %add3A_501 : vector<16xf32>
        %mul3A_507 = vector.broadcast %scan3A_435 : f32 to vector<16xf32>
        %mul3A_508 = arith.mulf %mul3A_507, %mul3A_506 : vector<16xf32>
        %lt3A = arith.cmpf olt, %mul3A_505, %mul3A_508 : vector<16xf32>
        %and3A_509 = arith.andi %and3A, %lt3A : vector<16xi1>
        %select_n3A = arith.select %and3A_509, %broadcast_in_dim3A_432, %scan3A_486 : vector<16xi1>, vector<16xi32>
        %mul3A_510 = arith.mulf %gather3A, %get3A_467 : vector<16xf32>
        %mul3A_511 = arith.mulf %gather3A_488, %get3A_465 : vector<16xf32>
        %sub3A_512 = arith.subf %mul3A_510, %mul3A_511 : vector<16xf32>
        %sub3A_513 = arith.subf %sub3A_512, %gather3A_489 : vector<16xf32>
        %mul3A_514 = arith.mulf %sub3A_470, %gather3A_488 : vector<16xf32>
        %mul3A_515 = arith.mulf %sub3A_473, %gather3A : vector<16xf32>
        %sub3A_516 = arith.subf %mul3A_514, %mul3A_515 : vector<16xf32>
        %sub3A_517 = arith.subf %sub3A_513, %sub3A_516 : vector<16xf32>
        %mul3A_518 = arith.mulf %sub3A_470, %gather3A : vector<16xf32>
        %mul3A_519 = arith.mulf %sub3A_473, %gather3A_488 : vector<16xf32>
        %add3A_520 = arith.addf %mul3A_518, %mul3A_519 : vector<16xf32>
        %mul3A_521 = arith.mulf %sub3A_513, %sub3A_513 : vector<16xf32>
        %le3A_522 = arith.cmpf ole, %mul3A_521, %gather3A_490 : vector<16xf32>
        %mul3A_523 = arith.mulf %sub3A_517, %sub3A_517 : vector<16xf32>
        %le3A_524 = arith.cmpf ole, %mul3A_523, %gather3A_490 : vector<16xf32>
        %and3A_525 = arith.andi %le3A_522, %le3A_524 : vector<16xi1>
        %mul3A_526 = arith.mulf %sub3A_516, %sub3A_516 : vector<16xf32>
        %mul3A_527 = arith.mulf %add3A_520, %add3A_520 : vector<16xf32>
        %mul3A_528 = vector.broadcast %scan3A_435 : f32 to vector<16xf32>
        %mul3A_529 = arith.mulf %mul3A_528, %mul3A_527 : vector<16xf32>
        %lt3A_530 = arith.cmpf olt, %mul3A_526, %mul3A_529 : vector<16xf32>
        %and3A_531 = arith.andi %and3A_525, %lt3A_530 : vector<16xi1>
        %select_n3A_532 = arith.select %and3A_531, %broadcast_in_dim3A_432, %scan3A_487 : vector<16xi1>, vector<16xi32>
        %add3A_533 = arith.constant 1 : i32
        %add3A_534 = vector.broadcast %add3A_533 : i32 to vector<16xi32>
        %add3A_535 = arith.addi %scan3A_485, %add3A_534 : vector<16xi32>
        %scan3A_536 = arith.constant 1 : i32
        %scan3A_537 = arith.addi %scan3A_484, %scan3A_536 : i32
        %gather3A_538 = tpu.vector_load_idx %arg19[%add3A_535] : memref<256xf32, #tpu.memory_space<vmem>>[vector<16xi32>], vector<16xf32>,
        %gather3A_539 = tpu.vector_load_idx %arg20[%add3A_535] : memref<256xf32, #tpu.memory_space<vmem>>[vector<16xi32>], vector<16xf32>,
        %gather3A_540 = tpu.vector_load_idx %arg21[%add3A_535] : memref<256xf32, #tpu.memory_space<vmem>>[vector<16xi32>], vector<16xf32>,
        %gather3A_541 = tpu.vector_load_idx %arg22[%add3A_535] : memref<256xf32, #tpu.memory_space<vmem>>[vector<16xi32>], vector<16xf32>,
        %mul3A_542 = arith.mulf %gather3A_538, %get3A_457 : vector<16xf32>
        %mul3A_543 = arith.mulf %gather3A_539, %get3A_455 : vector<16xf32>
        %sub3A_544 = arith.subf %mul3A_542, %mul3A_543 : vector<16xf32>
        %sub3A_545 = arith.subf %sub3A_544, %gather3A_540 : vector<16xf32>
        %mul3A_546 = arith.mulf %sub3A_460, %gather3A_539 : vector<16xf32>
        %mul3A_547 = arith.mulf %sub3A_463, %gather3A_538 : vector<16xf32>
        %sub3A_548 = arith.subf %mul3A_546, %mul3A_547 : vector<16xf32>
        %sub3A_549 = arith.subf %sub3A_545, %sub3A_548 : vector<16xf32>
        %mul3A_550 = arith.mulf %sub3A_460, %gather3A_538 : vector<16xf32>
        %mul3A_551 = arith.mulf %sub3A_463, %gather3A_539 : vector<16xf32>
        %add3A_552 = arith.addf %mul3A_550, %mul3A_551 : vector<16xf32>
        %mul3A_553 = arith.mulf %sub3A_545, %sub3A_545 : vector<16xf32>
        %le3A_554 = arith.cmpf ole, %mul3A_553, %gather3A_541 : vector<16xf32>
        %mul3A_555 = arith.mulf %sub3A_549, %sub3A_549 : vector<16xf32>
        %le3A_556 = arith.cmpf ole, %mul3A_555, %gather3A_541 : vector<16xf32>
        %and3A_557 = arith.andi %le3A_554, %le3A_556 : vector<16xi1>
        %mul3A_558 = arith.mulf %sub3A_548, %sub3A_548 : vector<16xf32>
        %mul3A_559 = arith.mulf %add3A_552, %add3A_552 : vector<16xf32>
        %mul3A_560 = vector.broadcast %scan3A_435 : f32 to vector<16xf32>
        %mul3A_561 = arith.mulf %mul3A_560, %mul3A_559 : vector<16xf32>
        %lt3A_562 = arith.cmpf olt, %mul3A_558, %mul3A_561 : vector<16xf32>
        %and3A_563 = arith.andi %and3A_557, %lt3A_562 : vector<16xi1>
        %select_n3A_564 = arith.select %and3A_563, %broadcast_in_dim3A_432, %select_n3A : vector<16xi1>, vector<16xi32>
        %mul3A_565 = arith.mulf %gather3A_538, %get3A_467 : vector<16xf32>
        %mul3A_566 = arith.mulf %gather3A_539, %get3A_465 : vector<16xf32>
        %sub3A_567 = arith.subf %mul3A_565, %mul3A_566 : vector<16xf32>
        %sub3A_568 = arith.subf %sub3A_567, %gather3A_540 : vector<16xf32>
        %mul3A_569 = arith.mulf %sub3A_470, %gather3A_539 : vector<16xf32>
        %mul3A_570 = arith.mulf %sub3A_473, %gather3A_538 : vector<16xf32>
        %sub3A_571 = arith.subf %mul3A_569, %mul3A_570 : vector<16xf32>
        %sub3A_572 = arith.subf %sub3A_568, %sub3A_571 : vector<16xf32>
        %mul3A_573 = arith.mulf %sub3A_470, %gather3A_538 : vector<16xf32>
        %mul3A_574 = arith.mulf %sub3A_473, %gather3A_539 : vector<16xf32>
        %add3A_575 = arith.addf %mul3A_573, %mul3A_574 : vector<16xf32>
        %mul3A_576 = arith.mulf %sub3A_568, %sub3A_568 : vector<16xf32>
        %le3A_577 = arith.cmpf ole, %mul3A_576, %gather3A_541 : vector<16xf32>
        %mul3A_578 = arith.mulf %sub3A_572, %sub3A_572 : vector<16xf32>
        %le3A_579 = arith.cmpf ole, %mul3A_578, %gather3A_541 : vector<16xf32>
        %and3A_580 = arith.andi %le3A_577, %le3A_579 : vector<16xi1>
        %mul3A_581 = arith.mulf %sub3A_571, %sub3A_571 : vector<16xf32>
        %mul3A_582 = arith.mulf %add3A_575, %add3A_575 : vector<16xf32>
        %mul3A_583 = vector.broadcast %scan3A_435 : f32 to vector<16xf32>
        %mul3A_584 = arith.mulf %mul3A_583, %mul3A_582 : vector<16xf32>
        %lt3A_585 = arith.cmpf olt, %mul3A_581, %mul3A_584 : vector<16xf32>
        %and3A_586 = arith.andi %and3A_580, %lt3A_585 : vector<16xi1>
        %select_n3A_587 = arith.select %and3A_586, %broadcast_in_dim3A_432, %select_n3A_532 : vector<16xi1>, vector<16xi32>
        %add3A_588 = arith.constant 1 : i32
        %add3A_589 = vector.broadcast %add3A_588 : i32 to vector<16xi32>
        %add3A_590 = arith.addi %add3A_535, %add3A_589 : vector<16xi32>
        %scan3A_591 = arith.constant 2 : i32
        %scan3A_592 = arith.addi %scan3A_484, %scan3A_591 : i32
        %gather3A_593 = tpu.vector_load_idx %arg19[%add3A_590] : memref<256xf32, #tpu.memory_space<vmem>>[vector<16xi32>], vector<16xf32>,
        %gather3A_594 = tpu.vector_load_idx %arg20[%add3A_590] : memref<256xf32, #tpu.memory_space<vmem>>[vector<16xi32>], vector<16xf32>,
        %gather3A_595 = tpu.vector_load_idx %arg21[%add3A_590] : memref<256xf32, #tpu.memory_space<vmem>>[vector<16xi32>], vector<16xf32>,
        %gather3A_596 = tpu.vector_load_idx %arg22[%add3A_590] : memref<256xf32, #tpu.memory_space<vmem>>[vector<16xi32>], vector<16xf32>,
        %mul3A_597 = arith.mulf %gather3A_593, %get3A_457 : vector<16xf32>
        %mul3A_598 = arith.mulf %gather3A_594, %get3A_455 : vector<16xf32>
        %sub3A_599 = arith.subf %mul3A_597, %mul3A_598 : vector<16xf32>
        %sub3A_600 = arith.subf %sub3A_599, %gather3A_595 : vector<16xf32>
        %mul3A_601 = arith.mulf %sub3A_460, %gather3A_594 : vector<16xf32>
        %mul3A_602 = arith.mulf %sub3A_463, %gather3A_593 : vector<16xf32>
        %sub3A_603 = arith.subf %mul3A_601, %mul3A_602 : vector<16xf32>
        %sub3A_604 = arith.subf %sub3A_600, %sub3A_603 : vector<16xf32>
        %mul3A_605 = arith.mulf %sub3A_460, %gather3A_593 : vector<16xf32>
        %mul3A_606 = arith.mulf %sub3A_463, %gather3A_594 : vector<16xf32>
        %add3A_607 = arith.addf %mul3A_605, %mul3A_606 : vector<16xf32>
        %mul3A_608 = arith.mulf %sub3A_600, %sub3A_600 : vector<16xf32>
        %le3A_609 = arith.cmpf ole, %mul3A_608, %gather3A_596 : vector<16xf32>
        %mul3A_610 = arith.mulf %sub3A_604, %sub3A_604 : vector<16xf32>
        %le3A_611 = arith.cmpf ole, %mul3A_610, %gather3A_596 : vector<16xf32>
        %and3A_612 = arith.andi %le3A_609, %le3A_611 : vector<16xi1>
        %mul3A_613 = arith.mulf %sub3A_603, %sub3A_603 : vector<16xf32>
        %mul3A_614 = arith.mulf %add3A_607, %add3A_607 : vector<16xf32>
        %mul3A_615 = vector.broadcast %scan3A_435 : f32 to vector<16xf32>
        %mul3A_616 = arith.mulf %mul3A_615, %mul3A_614 : vector<16xf32>
        %lt3A_617 = arith.cmpf olt, %mul3A_613, %mul3A_616 : vector<16xf32>
        %and3A_618 = arith.andi %and3A_612, %lt3A_617 : vector<16xi1>
        %select_n3A_619 = arith.select %and3A_618, %broadcast_in_dim3A_432, %select_n3A_564 : vector<16xi1>, vector<16xi32>
        %mul3A_620 = arith.mulf %gather3A_593, %get3A_467 : vector<16xf32>
        %mul3A_621 = arith.mulf %gather3A_594, %get3A_465 : vector<16xf32>
        %sub3A_622 = arith.subf %mul3A_620, %mul3A_621 : vector<16xf32>
        %sub3A_623 = arith.subf %sub3A_622, %gather3A_595 : vector<16xf32>
        %mul3A_624 = arith.mulf %sub3A_470, %gather3A_594 : vector<16xf32>
        %mul3A_625 = arith.mulf %sub3A_473, %gather3A_593 : vector<16xf32>
        %sub3A_626 = arith.subf %mul3A_624, %mul3A_625 : vector<16xf32>
        %sub3A_627 = arith.subf %sub3A_623, %sub3A_626 : vector<16xf32>
        %mul3A_628 = arith.mulf %sub3A_470, %gather3A_593 : vector<16xf32>
        %mul3A_629 = arith.mulf %sub3A_473, %gather3A_594 : vector<16xf32>
        %add3A_630 = arith.addf %mul3A_628, %mul3A_629 : vector<16xf32>
        %mul3A_631 = arith.mulf %sub3A_623, %sub3A_623 : vector<16xf32>
        %le3A_632 = arith.cmpf ole, %mul3A_631, %gather3A_596 : vector<16xf32>
        %mul3A_633 = arith.mulf %sub3A_627, %sub3A_627 : vector<16xf32>
        %le3A_634 = arith.cmpf ole, %mul3A_633, %gather3A_596 : vector<16xf32>
        %and3A_635 = arith.andi %le3A_632, %le3A_634 : vector<16xi1>
        %mul3A_636 = arith.mulf %sub3A_626, %sub3A_626 : vector<16xf32>
        %mul3A_637 = arith.mulf %add3A_630, %add3A_630 : vector<16xf32>
        %mul3A_638 = vector.broadcast %scan3A_435 : f32 to vector<16xf32>
        %mul3A_639 = arith.mulf %mul3A_638, %mul3A_637 : vector<16xf32>
        %lt3A_640 = arith.cmpf olt, %mul3A_636, %mul3A_639 : vector<16xf32>
        %and3A_641 = arith.andi %and3A_635, %lt3A_640 : vector<16xi1>
        %select_n3A_642 = arith.select %and3A_641, %broadcast_in_dim3A_432, %select_n3A_587 : vector<16xi1>, vector<16xi32>
        %add3A_643 = arith.constant 1 : i32
        %add3A_644 = vector.broadcast %add3A_643 : i32 to vector<16xi32>
        %add3A_645 = arith.addi %add3A_590, %add3A_644 : vector<16xi32>
        %scan3A_646 = arith.constant 3 : i32
        %scan3A_647 = arith.addi %scan3A_484, %scan3A_646 : i32
        %gather3A_648 = tpu.vector_load_idx %arg19[%add3A_645] : memref<256xf32, #tpu.memory_space<vmem>>[vector<16xi32>], vector<16xf32>,
        %gather3A_649 = tpu.vector_load_idx %arg20[%add3A_645] : memref<256xf32, #tpu.memory_space<vmem>>[vector<16xi32>], vector<16xf32>,
        %gather3A_650 = tpu.vector_load_idx %arg21[%add3A_645] : memref<256xf32, #tpu.memory_space<vmem>>[vector<16xi32>], vector<16xf32>,
        %gather3A_651 = tpu.vector_load_idx %arg22[%add3A_645] : memref<256xf32, #tpu.memory_space<vmem>>[vector<16xi32>], vector<16xf32>,
        %mul3A_652 = arith.mulf %gather3A_648, %get3A_457 : vector<16xf32>
        %mul3A_653 = arith.mulf %gather3A_649, %get3A_455 : vector<16xf32>
        %sub3A_654 = arith.subf %mul3A_652, %mul3A_653 : vector<16xf32>
        %sub3A_655 = arith.subf %sub3A_654, %gather3A_650 : vector<16xf32>
        %mul3A_656 = arith.mulf %sub3A_460, %gather3A_649 : vector<16xf32>
        %mul3A_657 = arith.mulf %sub3A_463, %gather3A_648 : vector<16xf32>
        %sub3A_658 = arith.subf %mul3A_656, %mul3A_657 : vector<16xf32>
        %sub3A_659 = arith.subf %sub3A_655, %sub3A_658 : vector<16xf32>
        %mul3A_660 = arith.mulf %sub3A_460, %gather3A_648 : vector<16xf32>
        %mul3A_661 = arith.mulf %sub3A_463, %gather3A_649 : vector<16xf32>
        %add3A_662 = arith.addf %mul3A_660, %mul3A_661 : vector<16xf32>
        %mul3A_663 = arith.mulf %sub3A_655, %sub3A_655 : vector<16xf32>
        %le3A_664 = arith.cmpf ole, %mul3A_663, %gather3A_651 : vector<16xf32>
        %mul3A_665 = arith.mulf %sub3A_659, %sub3A_659 : vector<16xf32>
        %le3A_666 = arith.cmpf ole, %mul3A_665, %gather3A_651 : vector<16xf32>
        %and3A_667 = arith.andi %le3A_664, %le3A_666 : vector<16xi1>
        %mul3A_668 = arith.mulf %sub3A_658, %sub3A_658 : vector<16xf32>
        %mul3A_669 = arith.mulf %add3A_662, %add3A_662 : vector<16xf32>
        %mul3A_670 = vector.broadcast %scan3A_435 : f32 to vector<16xf32>
        %mul3A_671 = arith.mulf %mul3A_670, %mul3A_669 : vector<16xf32>
        %lt3A_672 = arith.cmpf olt, %mul3A_668, %mul3A_671 : vector<16xf32>
        %and3A_673 = arith.andi %and3A_667, %lt3A_672 : vector<16xi1>
        %select_n3A_674 = arith.select %and3A_673, %broadcast_in_dim3A_432, %select_n3A_619 : vector<16xi1>, vector<16xi32>
        %mul3A_675 = arith.mulf %gather3A_648, %get3A_467 : vector<16xf32>
        %mul3A_676 = arith.mulf %gather3A_649, %get3A_465 : vector<16xf32>
        %sub3A_677 = arith.subf %mul3A_675, %mul3A_676 : vector<16xf32>
        %sub3A_678 = arith.subf %sub3A_677, %gather3A_650 : vector<16xf32>
        %mul3A_679 = arith.mulf %sub3A_470, %gather3A_649 : vector<16xf32>
        %mul3A_680 = arith.mulf %sub3A_473, %gather3A_648 : vector<16xf32>
        %sub3A_681 = arith.subf %mul3A_679, %mul3A_680 : vector<16xf32>
        %sub3A_682 = arith.subf %sub3A_678, %sub3A_681 : vector<16xf32>
        %mul3A_683 = arith.mulf %sub3A_470, %gather3A_648 : vector<16xf32>
        %mul3A_684 = arith.mulf %sub3A_473, %gather3A_649 : vector<16xf32>
        %add3A_685 = arith.addf %mul3A_683, %mul3A_684 : vector<16xf32>
        %mul3A_686 = arith.mulf %sub3A_678, %sub3A_678 : vector<16xf32>
        %le3A_687 = arith.cmpf ole, %mul3A_686, %gather3A_651 : vector<16xf32>
        %mul3A_688 = arith.mulf %sub3A_682, %sub3A_682 : vector<16xf32>
        %le3A_689 = arith.cmpf ole, %mul3A_688, %gather3A_651 : vector<16xf32>
        %and3A_690 = arith.andi %le3A_687, %le3A_689 : vector<16xi1>
        %mul3A_691 = arith.mulf %sub3A_681, %sub3A_681 : vector<16xf32>
        %mul3A_692 = arith.mulf %add3A_685, %add3A_685 : vector<16xf32>
        %mul3A_693 = vector.broadcast %scan3A_435 : f32 to vector<16xf32>
        %mul3A_694 = arith.mulf %mul3A_693, %mul3A_692 : vector<16xf32>
        %lt3A_695 = arith.cmpf olt, %mul3A_691, %mul3A_694 : vector<16xf32>
        %and3A_696 = arith.andi %and3A_690, %lt3A_695 : vector<16xi1>
        %select_n3A_697 = arith.select %and3A_696, %broadcast_in_dim3A_432, %select_n3A_642 : vector<16xi1>, vector<16xi32>
        %add3A_698 = arith.constant 1 : i32
        %add3A_699 = vector.broadcast %add3A_698 : i32 to vector<16xi32>
        %add3A_700 = arith.addi %add3A_645, %add3A_699 : vector<16xi32>
        %scan3A_701 = arith.constant 4 : i32
        %scan3A_702 = arith.addi %scan3A_484, %scan3A_701 : i32
        %gather3A_703 = tpu.vector_load_idx %arg19[%add3A_700] : memref<256xf32, #tpu.memory_space<vmem>>[vector<16xi32>], vector<16xf32>,
        %gather3A_704 = tpu.vector_load_idx %arg20[%add3A_700] : memref<256xf32, #tpu.memory_space<vmem>>[vector<16xi32>], vector<16xf32>,
        %gather3A_705 = tpu.vector_load_idx %arg21[%add3A_700] : memref<256xf32, #tpu.memory_space<vmem>>[vector<16xi32>], vector<16xf32>,
        %gather3A_706 = tpu.vector_load_idx %arg22[%add3A_700] : memref<256xf32, #tpu.memory_space<vmem>>[vector<16xi32>], vector<16xf32>,
        %mul3A_707 = arith.mulf %gather3A_703, %get3A_457 : vector<16xf32>
        %mul3A_708 = arith.mulf %gather3A_704, %get3A_455 : vector<16xf32>
        %sub3A_709 = arith.subf %mul3A_707, %mul3A_708 : vector<16xf32>
        %sub3A_710 = arith.subf %sub3A_709, %gather3A_705 : vector<16xf32>
        %mul3A_711 = arith.mulf %sub3A_460, %gather3A_704 : vector<16xf32>
        %mul3A_712 = arith.mulf %sub3A_463, %gather3A_703 : vector<16xf32>
        %sub3A_713 = arith.subf %mul3A_711, %mul3A_712 : vector<16xf32>
        %sub3A_714 = arith.subf %sub3A_710, %sub3A_713 : vector<16xf32>
        %mul3A_715 = arith.mulf %sub3A_460, %gather3A_703 : vector<16xf32>
        %mul3A_716 = arith.mulf %sub3A_463, %gather3A_704 : vector<16xf32>
        %add3A_717 = arith.addf %mul3A_715, %mul3A_716 : vector<16xf32>
        %mul3A_718 = arith.mulf %sub3A_710, %sub3A_710 : vector<16xf32>
        %le3A_719 = arith.cmpf ole, %mul3A_718, %gather3A_706 : vector<16xf32>
        %mul3A_720 = arith.mulf %sub3A_714, %sub3A_714 : vector<16xf32>
        %le3A_721 = arith.cmpf ole, %mul3A_720, %gather3A_706 : vector<16xf32>
        %and3A_722 = arith.andi %le3A_719, %le3A_721 : vector<16xi1>
        %mul3A_723 = arith.mulf %sub3A_713, %sub3A_713 : vector<16xf32>
        %mul3A_724 = arith.mulf %add3A_717, %add3A_717 : vector<16xf32>
        %mul3A_725 = vector.broadcast %scan3A_435 : f32 to vector<16xf32>
        %mul3A_726 = arith.mulf %mul3A_725, %mul3A_724 : vector<16xf32>
        %lt3A_727 = arith.cmpf olt, %mul3A_723, %mul3A_726 : vector<16xf32>
        %and3A_728 = arith.andi %and3A_722, %lt3A_727 : vector<16xi1>
        %select_n3A_729 = arith.select %and3A_728, %broadcast_in_dim3A_432, %select_n3A_674 : vector<16xi1>, vector<16xi32>
        %mul3A_730 = arith.mulf %gather3A_703, %get3A_467 : vector<16xf32>
        %mul3A_731 = arith.mulf %gather3A_704, %get3A_465 : vector<16xf32>
        %sub3A_732 = arith.subf %mul3A_730, %mul3A_731 : vector<16xf32>
        %sub3A_733 = arith.subf %sub3A_732, %gather3A_705 : vector<16xf32>
        %mul3A_734 = arith.mulf %sub3A_470, %gather3A_704 : vector<16xf32>
        %mul3A_735 = arith.mulf %sub3A_473, %gather3A_703 : vector<16xf32>
        %sub3A_736 = arith.subf %mul3A_734, %mul3A_735 : vector<16xf32>
        %sub3A_737 = arith.subf %sub3A_733, %sub3A_736 : vector<16xf32>
        %mul3A_738 = arith.mulf %sub3A_470, %gather3A_703 : vector<16xf32>
        %mul3A_739 = arith.mulf %sub3A_473, %gather3A_704 : vector<16xf32>
        %add3A_740 = arith.addf %mul3A_738, %mul3A_739 : vector<16xf32>
        %mul3A_741 = arith.mulf %sub3A_733, %sub3A_733 : vector<16xf32>
        %le3A_742 = arith.cmpf ole, %mul3A_741, %gather3A_706 : vector<16xf32>
        %mul3A_743 = arith.mulf %sub3A_737, %sub3A_737 : vector<16xf32>
        %le3A_744 = arith.cmpf ole, %mul3A_743, %gather3A_706 : vector<16xf32>
        %and3A_745 = arith.andi %le3A_742, %le3A_744 : vector<16xi1>
        %mul3A_746 = arith.mulf %sub3A_736, %sub3A_736 : vector<16xf32>
        %mul3A_747 = arith.mulf %add3A_740, %add3A_740 : vector<16xf32>
        %mul3A_748 = vector.broadcast %scan3A_435 : f32 to vector<16xf32>
        %mul3A_749 = arith.mulf %mul3A_748, %mul3A_747 : vector<16xf32>
        %lt3A_750 = arith.cmpf olt, %mul3A_746, %mul3A_749 : vector<16xf32>
        %and3A_751 = arith.andi %and3A_745, %lt3A_750 : vector<16xi1>
        %select_n3A_752 = arith.select %and3A_751, %broadcast_in_dim3A_432, %select_n3A_697 : vector<16xi1>, vector<16xi32>
        %add3A_753 = arith.constant 1 : i32
        %add3A_754 = vector.broadcast %add3A_753 : i32 to vector<16xi32>
        %add3A_755 = arith.addi %add3A_700, %add3A_754 : vector<16xi32>
        %scan3A_756 = arith.constant 5 : i32
        %scan3A_757 = arith.addi %scan3A_484, %scan3A_756 : i32
        %gather3A_758 = tpu.vector_load_idx %arg19[%add3A_755] : memref<256xf32, #tpu.memory_space<vmem>>[vector<16xi32>], vector<16xf32>,
        %gather3A_759 = tpu.vector_load_idx %arg20[%add3A_755] : memref<256xf32, #tpu.memory_space<vmem>>[vector<16xi32>], vector<16xf32>,
        %gather3A_760 = tpu.vector_load_idx %arg21[%add3A_755] : memref<256xf32, #tpu.memory_space<vmem>>[vector<16xi32>], vector<16xf32>,
        %gather3A_761 = tpu.vector_load_idx %arg22[%add3A_755] : memref<256xf32, #tpu.memory_space<vmem>>[vector<16xi32>], vector<16xf32>,
        %mul3A_762 = arith.mulf %gather3A_758, %get3A_457 : vector<16xf32>
        %mul3A_763 = arith.mulf %gather3A_759, %get3A_455 : vector<16xf32>
        %sub3A_764 = arith.subf %mul3A_762, %mul3A_763 : vector<16xf32>
        %sub3A_765 = arith.subf %sub3A_764, %gather3A_760 : vector<16xf32>
        %mul3A_766 = arith.mulf %sub3A_460, %gather3A_759 : vector<16xf32>
        %mul3A_767 = arith.mulf %sub3A_463, %gather3A_758 : vector<16xf32>
        %sub3A_768 = arith.subf %mul3A_766, %mul3A_767 : vector<16xf32>
        %sub3A_769 = arith.subf %sub3A_765, %sub3A_768 : vector<16xf32>
        %mul3A_770 = arith.mulf %sub3A_460, %gather3A_758 : vector<16xf32>
        %mul3A_771 = arith.mulf %sub3A_463, %gather3A_759 : vector<16xf32>
        %add3A_772 = arith.addf %mul3A_770, %mul3A_771 : vector<16xf32>
        %mul3A_773 = arith.mulf %sub3A_765, %sub3A_765 : vector<16xf32>
        %le3A_774 = arith.cmpf ole, %mul3A_773, %gather3A_761 : vector<16xf32>
        %mul3A_775 = arith.mulf %sub3A_769, %sub3A_769 : vector<16xf32>
        %le3A_776 = arith.cmpf ole, %mul3A_775, %gather3A_761 : vector<16xf32>
        %and3A_777 = arith.andi %le3A_774, %le3A_776 : vector<16xi1>
        %mul3A_778 = arith.mulf %sub3A_768, %sub3A_768 : vector<16xf32>
        %mul3A_779 = arith.mulf %add3A_772, %add3A_772 : vector<16xf32>
        %mul3A_780 = vector.broadcast %scan3A_435 : f32 to vector<16xf32>
        %mul3A_781 = arith.mulf %mul3A_780, %mul3A_779 : vector<16xf32>
        %lt3A_782 = arith.cmpf olt, %mul3A_778, %mul3A_781 : vector<16xf32>
        %and3A_783 = arith.andi %and3A_777, %lt3A_782 : vector<16xi1>
        %select_n3A_784 = arith.select %and3A_783, %broadcast_in_dim3A_432, %select_n3A_729 : vector<16xi1>, vector<16xi32>
        %mul3A_785 = arith.mulf %gather3A_758, %get3A_467 : vector<16xf32>
        %mul3A_786 = arith.mulf %gather3A_759, %get3A_465 : vector<16xf32>
        %sub3A_787 = arith.subf %mul3A_785, %mul3A_786 : vector<16xf32>
        %sub3A_788 = arith.subf %sub3A_787, %gather3A_760 : vector<16xf32>
        %mul3A_789 = arith.mulf %sub3A_470, %gather3A_759 : vector<16xf32>
        %mul3A_790 = arith.mulf %sub3A_473, %gather3A_758 : vector<16xf32>
        %sub3A_791 = arith.subf %mul3A_789, %mul3A_790 : vector<16xf32>
        %sub3A_792 = arith.subf %sub3A_788, %sub3A_791 : vector<16xf32>
        %mul3A_793 = arith.mulf %sub3A_470, %gather3A_758 : vector<16xf32>
        %mul3A_794 = arith.mulf %sub3A_473, %gather3A_759 : vector<16xf32>
        %add3A_795 = arith.addf %mul3A_793, %mul3A_794 : vector<16xf32>
        %mul3A_796 = arith.mulf %sub3A_788, %sub3A_788 : vector<16xf32>
        %le3A_797 = arith.cmpf ole, %mul3A_796, %gather3A_761 : vector<16xf32>
        %mul3A_798 = arith.mulf %sub3A_792, %sub3A_792 : vector<16xf32>
        %le3A_799 = arith.cmpf ole, %mul3A_798, %gather3A_761 : vector<16xf32>
        %and3A_800 = arith.andi %le3A_797, %le3A_799 : vector<16xi1>
        %mul3A_801 = arith.mulf %sub3A_791, %sub3A_791 : vector<16xf32>
        %mul3A_802 = arith.mulf %add3A_795, %add3A_795 : vector<16xf32>
        %mul3A_803 = vector.broadcast %scan3A_435 : f32 to vector<16xf32>
        %mul3A_804 = arith.mulf %mul3A_803, %mul3A_802 : vector<16xf32>
        %lt3A_805 = arith.cmpf olt, %mul3A_801, %mul3A_804 : vector<16xf32>
        %and3A_806 = arith.andi %and3A_800, %lt3A_805 : vector<16xi1>
        %select_n3A_807 = arith.select %and3A_806, %broadcast_in_dim3A_432, %select_n3A_752 : vector<16xi1>, vector<16xi32>
        %add3A_808 = arith.constant 1 : i32
        %add3A_809 = vector.broadcast %add3A_808 : i32 to vector<16xi32>
        %add3A_810 = arith.addi %add3A_755, %add3A_809 : vector<16xi32>
        %scan3A_811 = arith.constant 6 : i32
        %scan3A_812 = arith.addi %scan3A_484, %scan3A_811 : i32
        %gather3A_813 = tpu.vector_load_idx %arg19[%add3A_810] : memref<256xf32, #tpu.memory_space<vmem>>[vector<16xi32>], vector<16xf32>,
        %gather3A_814 = tpu.vector_load_idx %arg20[%add3A_810] : memref<256xf32, #tpu.memory_space<vmem>>[vector<16xi32>], vector<16xf32>,
        %gather3A_815 = tpu.vector_load_idx %arg21[%add3A_810] : memref<256xf32, #tpu.memory_space<vmem>>[vector<16xi32>], vector<16xf32>,
        %gather3A_816 = tpu.vector_load_idx %arg22[%add3A_810] : memref<256xf32, #tpu.memory_space<vmem>>[vector<16xi32>], vector<16xf32>,
        %mul3A_817 = arith.mulf %gather3A_813, %get3A_457 : vector<16xf32>
        %mul3A_818 = arith.mulf %gather3A_814, %get3A_455 : vector<16xf32>
        %sub3A_819 = arith.subf %mul3A_817, %mul3A_818 : vector<16xf32>
        %sub3A_820 = arith.subf %sub3A_819, %gather3A_815 : vector<16xf32>
        %mul3A_821 = arith.mulf %sub3A_460, %gather3A_814 : vector<16xf32>
        %mul3A_822 = arith.mulf %sub3A_463, %gather3A_813 : vector<16xf32>
        %sub3A_823 = arith.subf %mul3A_821, %mul3A_822 : vector<16xf32>
        %sub3A_824 = arith.subf %sub3A_820, %sub3A_823 : vector<16xf32>
        %mul3A_825 = arith.mulf %sub3A_460, %gather3A_813 : vector<16xf32>
        %mul3A_826 = arith.mulf %sub3A_463, %gather3A_814 : vector<16xf32>
        %add3A_827 = arith.addf %mul3A_825, %mul3A_826 : vector<16xf32>
        %mul3A_828 = arith.mulf %sub3A_820, %sub3A_820 : vector<16xf32>
        %le3A_829 = arith.cmpf ole, %mul3A_828, %gather3A_816 : vector<16xf32>
        %mul3A_830 = arith.mulf %sub3A_824, %sub3A_824 : vector<16xf32>
        %le3A_831 = arith.cmpf ole, %mul3A_830, %gather3A_816 : vector<16xf32>
        %and3A_832 = arith.andi %le3A_829, %le3A_831 : vector<16xi1>
        %mul3A_833 = arith.mulf %sub3A_823, %sub3A_823 : vector<16xf32>
        %mul3A_834 = arith.mulf %add3A_827, %add3A_827 : vector<16xf32>
        %mul3A_835 = vector.broadcast %scan3A_435 : f32 to vector<16xf32>
        %mul3A_836 = arith.mulf %mul3A_835, %mul3A_834 : vector<16xf32>
        %lt3A_837 = arith.cmpf olt, %mul3A_833, %mul3A_836 : vector<16xf32>
        %and3A_838 = arith.andi %and3A_832, %lt3A_837 : vector<16xi1>
        %select_n3A_839 = arith.select %and3A_838, %broadcast_in_dim3A_432, %select_n3A_784 : vector<16xi1>, vector<16xi32>
        %mul3A_840 = arith.mulf %gather3A_813, %get3A_467 : vector<16xf32>
        %mul3A_841 = arith.mulf %gather3A_814, %get3A_465 : vector<16xf32>
        %sub3A_842 = arith.subf %mul3A_840, %mul3A_841 : vector<16xf32>
        %sub3A_843 = arith.subf %sub3A_842, %gather3A_815 : vector<16xf32>
        %mul3A_844 = arith.mulf %sub3A_470, %gather3A_814 : vector<16xf32>
        %mul3A_845 = arith.mulf %sub3A_473, %gather3A_813 : vector<16xf32>
        %sub3A_846 = arith.subf %mul3A_844, %mul3A_845 : vector<16xf32>
        %sub3A_847 = arith.subf %sub3A_843, %sub3A_846 : vector<16xf32>
        %mul3A_848 = arith.mulf %sub3A_470, %gather3A_813 : vector<16xf32>
        %mul3A_849 = arith.mulf %sub3A_473, %gather3A_814 : vector<16xf32>
        %add3A_850 = arith.addf %mul3A_848, %mul3A_849 : vector<16xf32>
        %mul3A_851 = arith.mulf %sub3A_843, %sub3A_843 : vector<16xf32>
        %le3A_852 = arith.cmpf ole, %mul3A_851, %gather3A_816 : vector<16xf32>
        %mul3A_853 = arith.mulf %sub3A_847, %sub3A_847 : vector<16xf32>
        %le3A_854 = arith.cmpf ole, %mul3A_853, %gather3A_816 : vector<16xf32>
        %and3A_855 = arith.andi %le3A_852, %le3A_854 : vector<16xi1>
        %mul3A_856 = arith.mulf %sub3A_846, %sub3A_846 : vector<16xf32>
        %mul3A_857 = arith.mulf %add3A_850, %add3A_850 : vector<16xf32>
        %mul3A_858 = vector.broadcast %scan3A_435 : f32 to vector<16xf32>
        %mul3A_859 = arith.mulf %mul3A_858, %mul3A_857 : vector<16xf32>
        %lt3A_860 = arith.cmpf olt, %mul3A_856, %mul3A_859 : vector<16xf32>
        %and3A_861 = arith.andi %and3A_855, %lt3A_860 : vector<16xi1>
        %select_n3A_862 = arith.select %and3A_861, %broadcast_in_dim3A_432, %select_n3A_807 : vector<16xi1>, vector<16xi32>
        %add3A_863 = arith.constant 1 : i32
        %add3A_864 = vector.broadcast %add3A_863 : i32 to vector<16xi32>
        %add3A_865 = arith.addi %add3A_810, %add3A_864 : vector<16xi32>
        %scan3A_866 = arith.constant 7 : i32
        %scan3A_867 = arith.addi %scan3A_484, %scan3A_866 : i32
        %gather3A_868 = tpu.vector_load_idx %arg19[%add3A_865] : memref<256xf32, #tpu.memory_space<vmem>>[vector<16xi32>], vector<16xf32>,
        %gather3A_869 = tpu.vector_load_idx %arg20[%add3A_865] : memref<256xf32, #tpu.memory_space<vmem>>[vector<16xi32>], vector<16xf32>,
        %gather3A_870 = tpu.vector_load_idx %arg21[%add3A_865] : memref<256xf32, #tpu.memory_space<vmem>>[vector<16xi32>], vector<16xf32>,
        %gather3A_871 = tpu.vector_load_idx %arg22[%add3A_865] : memref<256xf32, #tpu.memory_space<vmem>>[vector<16xi32>], vector<16xf32>,
        %mul3A_872 = arith.mulf %gather3A_868, %get3A_457 : vector<16xf32>
        %mul3A_873 = arith.mulf %gather3A_869, %get3A_455 : vector<16xf32>
        %sub3A_874 = arith.subf %mul3A_872, %mul3A_873 : vector<16xf32>
        %sub3A_875 = arith.subf %sub3A_874, %gather3A_870 : vector<16xf32>
        %mul3A_876 = arith.mulf %sub3A_460, %gather3A_869 : vector<16xf32>
        %mul3A_877 = arith.mulf %sub3A_463, %gather3A_868 : vector<16xf32>
        %sub3A_878 = arith.subf %mul3A_876, %mul3A_877 : vector<16xf32>
        %sub3A_879 = arith.subf %sub3A_875, %sub3A_878 : vector<16xf32>
        %mul3A_880 = arith.mulf %sub3A_460, %gather3A_868 : vector<16xf32>
        %mul3A_881 = arith.mulf %sub3A_463, %gather3A_869 : vector<16xf32>
        %add3A_882 = arith.addf %mul3A_880, %mul3A_881 : vector<16xf32>
        %mul3A_883 = arith.mulf %sub3A_875, %sub3A_875 : vector<16xf32>
        %le3A_884 = arith.cmpf ole, %mul3A_883, %gather3A_871 : vector<16xf32>
        %mul3A_885 = arith.mulf %sub3A_879, %sub3A_879 : vector<16xf32>
        %le3A_886 = arith.cmpf ole, %mul3A_885, %gather3A_871 : vector<16xf32>
        %and3A_887 = arith.andi %le3A_884, %le3A_886 : vector<16xi1>
        %mul3A_888 = arith.mulf %sub3A_878, %sub3A_878 : vector<16xf32>
        %mul3A_889 = arith.mulf %add3A_882, %add3A_882 : vector<16xf32>
        %mul3A_890 = vector.broadcast %scan3A_435 : f32 to vector<16xf32>
        %mul3A_891 = arith.mulf %mul3A_890, %mul3A_889 : vector<16xf32>
        %lt3A_892 = arith.cmpf olt, %mul3A_888, %mul3A_891 : vector<16xf32>
        %and3A_893 = arith.andi %and3A_887, %lt3A_892 : vector<16xi1>
        %select_n3A_894 = arith.select %and3A_893, %broadcast_in_dim3A_432, %select_n3A_839 : vector<16xi1>, vector<16xi32>
        %mul3A_895 = arith.mulf %gather3A_868, %get3A_467 : vector<16xf32>
        %mul3A_896 = arith.mulf %gather3A_869, %get3A_465 : vector<16xf32>
        %sub3A_897 = arith.subf %mul3A_895, %mul3A_896 : vector<16xf32>
        %sub3A_898 = arith.subf %sub3A_897, %gather3A_870 : vector<16xf32>
        %mul3A_899 = arith.mulf %sub3A_470, %gather3A_869 : vector<16xf32>
        %mul3A_900 = arith.mulf %sub3A_473, %gather3A_868 : vector<16xf32>
        %sub3A_901 = arith.subf %mul3A_899, %mul3A_900 : vector<16xf32>
        %sub3A_902 = arith.subf %sub3A_898, %sub3A_901 : vector<16xf32>
        %mul3A_903 = arith.mulf %sub3A_470, %gather3A_868 : vector<16xf32>
        %mul3A_904 = arith.mulf %sub3A_473, %gather3A_869 : vector<16xf32>
        %add3A_905 = arith.addf %mul3A_903, %mul3A_904 : vector<16xf32>
        %mul3A_906 = arith.mulf %sub3A_898, %sub3A_898 : vector<16xf32>
        %le3A_907 = arith.cmpf ole, %mul3A_906, %gather3A_871 : vector<16xf32>
        %mul3A_908 = arith.mulf %sub3A_902, %sub3A_902 : vector<16xf32>
        %le3A_909 = arith.cmpf ole, %mul3A_908, %gather3A_871 : vector<16xf32>
        %and3A_910 = arith.andi %le3A_907, %le3A_909 : vector<16xi1>
        %mul3A_911 = arith.mulf %sub3A_901, %sub3A_901 : vector<16xf32>
        %mul3A_912 = arith.mulf %add3A_905, %add3A_905 : vector<16xf32>
        %mul3A_913 = vector.broadcast %scan3A_435 : f32 to vector<16xf32>
        %mul3A_914 = arith.mulf %mul3A_913, %mul3A_912 : vector<16xf32>
        %lt3A_915 = arith.cmpf olt, %mul3A_911, %mul3A_914 : vector<16xf32>
        %and3A_916 = arith.andi %and3A_910, %lt3A_915 : vector<16xi1>
        %select_n3A_917 = arith.select %and3A_916, %broadcast_in_dim3A_432, %select_n3A_862 : vector<16xi1>, vector<16xi32>
        %add3A_918 = arith.constant 1 : i32
        %add3A_919 = vector.broadcast %add3A_918 : i32 to vector<16xi32>
        %add3A_920 = arith.addi %add3A_865, %add3A_919 : vector<16xi32>
        scf.yield %add3A_920, %select_n3A_894, %select_n3A_917 : vector<16xi32>, vector<16xi32>, vector<16xi32>
      }
      %scan3A_479 = arith.constant 256 : i32
      %swap3A_480 = arith.index_cast %mul3A_447 : i32 to index
      %swap3A_481 = tpu.vector_load %arg23[%swap3A_480] {strides = array<i32>} : memref<256xi32, #tpu.memory_space<vmem>>, vector<16xi32>,
      tpu.vector_store %arg23[%swap3A_480], %scan3A_478#1 {strides = array<i32>} : memref<256xi32, #tpu.memory_space<vmem>>, vector<16xi32>,
      %swap3A_482 = arith.index_cast %mul3A_453 : i32 to index
      %swap3A_483 = tpu.vector_load %arg23[%swap3A_482] {strides = array<i32>} : memref<256xi32, #tpu.memory_space<vmem>>, vector<16xi32>,
      tpu.vector_store %arg23[%swap3A_482], %scan3A_478#2 {strides = array<i32>} : memref<256xi32, #tpu.memory_space<vmem>>, vector<16xi32>,
    }
    %scan3A_440 = arith.constant 8 : i32
    "tpu.region"() ({
      %run_scoped3A = tpu.sem_alloc : memref<!tpu.dma_semaphore, #tpu.memory_space<semaphore_mem>>
      %dma_start3A = tpu.memref_slice %arg10[%mul3A_2] : memref<8192xi32, #tpu.memory_space<hbm>> -> memref<256xi32, #tpu.memory_space<hbm>>
      %dma_start3A_441 = tpu.memref_slice %arg10[%mul3A_2] : memref<8192xi32, #tpu.memory_space<hbm>> -> memref<256xi32, #tpu.memory_space<hbm>>
      tpu.enqueue_dma source(%arg23 : memref<256xi32, #tpu.memory_space<vmem>>) target(%dma_start3A_441 : memref<256xi32, #tpu.memory_space<hbm>>) target_semaphore(%run_scoped3A : memref<!tpu.dma_semaphore, #tpu.memory_space<semaphore_mem>>)
      %dma_wait3A = tpu.memref_slice %arg10[%mul3A_2] : memref<8192xi32, #tpu.memory_space<hbm>> -> memref<256xi32, #tpu.memory_space<hbm>>
      %dma_wait3A_442 = tpu.memref_slice %arg10[%mul3A_2] : memref<8192xi32, #tpu.memory_space<hbm>> -> memref<256xi32, #tpu.memory_space<hbm>>
      tpu.wait_dma2 semaphore(%run_scoped3A : memref<!tpu.dma_semaphore, #tpu.memory_space<semaphore_mem>>) src(%arg23 : memref<256xi32, #tpu.memory_space<vmem>>) dst(%dma_wait3A_442 : memref<256xi32, #tpu.memory_space<hbm>>)
      tpu.yield
    }) : () -> ()
    return
  }
}

module attributes {stable_mosaic.version = 14 : i64} {
  func.func @_tc_body(%arg0: i32, %arg1: memref<4x2048xf32, #tpu.memory_space<vmem>>, %arg2: memref<256x4xf32, #tpu.memory_space<vmem>>, %arg3: memref<1x1x2048xi32, #tpu.memory_space<vmem>>) attributes {dimension_semantics = [#tpu.dimension_semantics<arbitrary>], iteration_bounds = array<i64: 6>, scalar_prefetch = 0 : i64, scratch_operands = 0 : i64, tpu.core_type = #tpu.core_type<tc>, window_params = [{transform_indices = @transform_0, window_bounds = array<i64: 4, 2048>}, {pipeline_mode = #tpu.pipeline_mode<synchronous>, transform_indices = @transform_1, window_bounds = array<i64: 256, 4>}, {transform_indices = @transform_2, window_bounds = array<i64: 1, 1, 2048>}]} {
    %get3A = arith.constant 0 : index
    %get3A_0 = arith.constant 0 : index
    %get3A_1 = vector.load %arg2[%get3A, %get3A_0] : memref<256x4xf32, #tpu.memory_space<vmem>>, vector<256x4xf32>
    %slice3A = vector.extract_strided_slice %get3A_1 {offsets = [0, 2], sizes = [256, 1], strides = [1, 1]} : vector<256x4xf32> to vector<256x1xf32>
    %slice3A_2 = vector.extract_strided_slice %get3A_1 {offsets = [0, 0], sizes = [256, 1], strides = [1, 1]} : vector<256x4xf32> to vector<256x1xf32>
    %sub3A = arith.subf %slice3A, %slice3A_2 : vector<256x1xf32>
    %slice3A_3 = vector.extract_strided_slice %get3A_1 {offsets = [0, 3], sizes = [256, 1], strides = [1, 1]} : vector<256x4xf32> to vector<256x1xf32>
    %slice3A_4 = vector.extract_strided_slice %get3A_1 {offsets = [0, 1], sizes = [256, 1], strides = [1, 1]} : vector<256x4xf32> to vector<256x1xf32>
    %sub3A_5 = arith.subf %slice3A_3, %slice3A_4 : vector<256x1xf32>
    %slice3A_6 = vector.extract_strided_slice %get3A_1 {offsets = [0, 1], sizes = [256, 1], strides = [1, 1]} : vector<256x4xf32> to vector<256x1xf32>
    %mul3A = arith.mulf %sub3A, %slice3A_6 : vector<256x1xf32>
    %slice3A_7 = vector.extract_strided_slice %get3A_1 {offsets = [0, 0], sizes = [256, 1], strides = [1, 1]} : vector<256x4xf32> to vector<256x1xf32>
    %mul3A_8 = arith.mulf %sub3A_5, %slice3A_7 : vector<256x1xf32>
    %sub3A_9 = arith.subf %mul3A, %mul3A_8 : vector<256x1xf32>
    %mul3A_10 = arith.mulf %sub3A, %sub3A : vector<256x1xf32>
    %mul3A_11 = arith.mulf %sub3A_5, %sub3A_5 : vector<256x1xf32>
    %add3A = arith.addf %mul3A_10, %mul3A_11 : vector<256x1xf32>
    %mul3A_12 = arith.constant 2.500000e+01 : f32
    %mul3A_13 = vector.broadcast %mul3A_12 : f32 to vector<256x1xf32>
    %mul3A_14 = arith.mulf %mul3A_13, %add3A : vector<256x1xf32>
    %get3A_15 = arith.constant 0 : index
    %get3A_16 = arith.constant 0 : index
    %get3A_17 = vector.load %arg1[%get3A_15, %get3A_16] : memref<4x2048xf32, #tpu.memory_space<vmem>>, vector<1x2048xf32>
    %get3A_18 = arith.constant 1 : index
    %get3A_19 = arith.constant 0 : index
    %get3A_20 = vector.load %arg1[%get3A_18, %get3A_19] : memref<4x2048xf32, #tpu.memory_space<vmem>>, vector<1x2048xf32>
    %get3A_21 = arith.constant 2 : index
    %get3A_22 = arith.constant 0 : index
    %get3A_23 = vector.load %arg1[%get3A_21, %get3A_22] : memref<4x2048xf32, #tpu.memory_space<vmem>>, vector<1x2048xf32>
    %sub3A_24 = arith.subf %get3A_23, %get3A_17 : vector<1x2048xf32>
    %get3A_25 = arith.constant 3 : index
    %get3A_26 = arith.constant 0 : index
    %get3A_27 = vector.load %arg1[%get3A_25, %get3A_26] : memref<4x2048xf32, #tpu.memory_space<vmem>>, vector<1x2048xf32>
    %sub3A_28 = arith.subf %get3A_27, %get3A_20 : vector<1x2048xf32>
    %mul3A_29 = vector.broadcast %sub3A : vector<256x1xf32> to vector<256x2048xf32>
    %mul3A_30 = vector.broadcast %get3A_20 : vector<1x2048xf32> to vector<256x2048xf32>
    %mul3A_31 = arith.mulf %mul3A_29, %mul3A_30 : vector<256x2048xf32>
    %mul3A_32 = vector.broadcast %sub3A_5 : vector<256x1xf32> to vector<256x2048xf32>
    %mul3A_33 = vector.broadcast %get3A_17 : vector<1x2048xf32> to vector<256x2048xf32>
    %mul3A_34 = arith.mulf %mul3A_32, %mul3A_33 : vector<256x2048xf32>
    %sub3A_35 = arith.subf %mul3A_31, %mul3A_34 : vector<256x2048xf32>
    %sub3A_36 = vector.broadcast %sub3A_9 : vector<256x1xf32> to vector<256x2048xf32>
    %sub3A_37 = arith.subf %sub3A_35, %sub3A_36 : vector<256x2048xf32>
    %mul3A_38 = vector.broadcast %sub3A_24 : vector<1x2048xf32> to vector<256x2048xf32>
    %mul3A_39 = vector.broadcast %sub3A_5 : vector<256x1xf32> to vector<256x2048xf32>
    %mul3A_40 = arith.mulf %mul3A_38, %mul3A_39 : vector<256x2048xf32>
    %mul3A_41 = vector.broadcast %sub3A_28 : vector<1x2048xf32> to vector<256x2048xf32>
    %mul3A_42 = vector.broadcast %sub3A : vector<256x1xf32> to vector<256x2048xf32>
    %mul3A_43 = arith.mulf %mul3A_41, %mul3A_42 : vector<256x2048xf32>
    %sub3A_44 = arith.subf %mul3A_40, %mul3A_43 : vector<256x2048xf32>
    %sub3A_45 = arith.subf %sub3A_37, %sub3A_44 : vector<256x2048xf32>
    %mul3A_46 = vector.broadcast %sub3A_24 : vector<1x2048xf32> to vector<256x2048xf32>
    %mul3A_47 = vector.broadcast %sub3A : vector<256x1xf32> to vector<256x2048xf32>
    %mul3A_48 = arith.mulf %mul3A_46, %mul3A_47 : vector<256x2048xf32>
    %mul3A_49 = vector.broadcast %sub3A_28 : vector<1x2048xf32> to vector<256x2048xf32>
    %mul3A_50 = vector.broadcast %sub3A_5 : vector<256x1xf32> to vector<256x2048xf32>
    %mul3A_51 = arith.mulf %mul3A_49, %mul3A_50 : vector<256x2048xf32>
    %add3A_52 = arith.addf %mul3A_48, %mul3A_51 : vector<256x2048xf32>
    %mul3A_53 = arith.mulf %sub3A_37, %sub3A_37 : vector<256x2048xf32>
    %le3A = vector.broadcast %mul3A_14 : vector<256x1xf32> to vector<256x2048xf32>
    %le3A_54 = arith.cmpf ole, %mul3A_53, %le3A : vector<256x2048xf32>
    %mul3A_55 = arith.mulf %sub3A_45, %sub3A_45 : vector<256x2048xf32>
    %le3A_56 = vector.broadcast %mul3A_14 : vector<256x1xf32> to vector<256x2048xf32>
    %le3A_57 = arith.cmpf ole, %mul3A_55, %le3A_56 : vector<256x2048xf32>
    %and3A = arith.andi %le3A_54, %le3A_57 : vector<256x2048xi1>
    %mul3A_58 = arith.mulf %sub3A_44, %sub3A_44 : vector<256x2048xf32>
    %mul3A_59 = arith.mulf %add3A_52, %add3A_52 : vector<256x2048xf32>
    %mul3A_60 = arith.constant 0.0310912039 : f32
    %mul3A_61 = vector.broadcast %mul3A_60 : f32 to vector<256x2048xf32>
    %mul3A_62 = arith.mulf %mul3A_61, %mul3A_59 : vector<256x2048xf32>
    %lt3A = arith.cmpf olt, %mul3A_58, %mul3A_62 : vector<256x2048xf32>
    %and3A_63 = arith.andi %and3A, %lt3A : vector<256x2048xi1>
    %reduce_or3A = arith.constant 1.000000e+00 : f32
    %reduce_or3A_64 = arith.constant 0.000000e+00 : f32
    %reduce_or3A_65 = vector.broadcast %reduce_or3A : f32 to vector<256x2048xf32>
    %reduce_or3A_66 = vector.broadcast %reduce_or3A_64 : f32 to vector<256x2048xf32>
    %reduce_or3A_67 = arith.select %and3A_63, %reduce_or3A_65, %reduce_or3A_66 : vector<256x2048xi1>, vector<256x2048xf32>
    %reduce_or3A_68 = arith.constant dense<0xFF800000> : vector<2048xf32>
    %reduce_or3A_69 = vector.multi_reduction <maximumf>, %reduce_or3A_67, %reduce_or3A_68 [0] : vector<256x2048xf32> to vector<2048xf32>
    %reduce_or3A_70 = arith.constant 0.000000e+00 : f32
    %reduce_or3A_71 = vector.broadcast %reduce_or3A_70 : f32 to vector<2048xf32>
    %reduce_or3A_72 = arith.cmpf ogt, %reduce_or3A_69, %reduce_or3A_71 : vector<2048xf32>
    %convert_element_type3A = arith.extui %reduce_or3A_72 : vector<2048xi1> to vector<2048xi32>
    %swap3A = arith.constant 0 : index
    %swap3A_73 = arith.constant 0 : index
    %swap3A_74 = arith.constant 0 : index
    %swap3A_75 = vector.load %arg3[%swap3A, %swap3A_73, %swap3A_74] : memref<1x1x2048xi32, #tpu.memory_space<vmem>>, vector<1x1x2048xi32>
    %swap3A_76 = vector.shape_cast %swap3A_75 : vector<1x1x2048xi32> to vector<2048xi32>
    %swap3A_77 = vector.shape_cast %convert_element_type3A : vector<2048xi32> to vector<1x1x2048xi32>
    tpu.vector_store %arg3[%swap3A, %swap3A_73, %swap3A_74], %swap3A_77 {strides = array<i32>} : memref<1x1x2048xi32, #tpu.memory_space<vmem>>, vector<1x1x2048xi32>,
    return
  }
  func.func @transform_0(%arg0: i32) -> (i32, i32) {
    %c0_i32 = arith.constant 0 : i32
    %c0_i32_0 = arith.constant 0 : i32
    return %c0_i32, %arg0 : i32, i32
  }
  func.func @transform_1(%arg0: i32) -> (i32, i32) {
    %c0_i32 = arith.constant 0 : i32
    %c0_i32_0 = arith.constant 0 : i32
    %c0_i32_1 = arith.constant 0 : i32
    return %c0_i32, %c0_i32_0 : i32, i32
  }
  func.func @transform_2(%arg0: i32) -> (i32, i32, i32) {
    %c0_i32 = arith.constant 0 : i32
    %c0_i32_0 = arith.constant 0 : i32
    %c0_i32_1 = arith.constant 0 : i32
    return %arg0, %c0_i32, %c0_i32_0 : i32, i32, i32
  }
}

</mosaic_0001>

<sc_bundles>
// kernel: kernel.4.cloned.1.call-start
scs
__scs_entry_jumppad:
0x0: {  	(pc) =	sbr.rel $0x88, $3  }
0x1: {  	(tag) =	ssettag $0x0;
	lr =	simm.s32 $0x1  }
0x2: {  	[smem:$0x3F9F] =	sst lr;
	_ =	strace $0xD0000000  }
0x3: {  	_ = 	snop  }
0x4: {  	_ = 	snop  }
0x5: {  	_ = 	snop  }
0x6: {  	_ = 	snop  }
0x7: {  	_ = 	snop  }
__scs_overlays_trampoline_lowered:
0x8: {  	[smem:$0x3FAE] =	sst s0  }
0x9: {  	[smem:$0x3FAF] =	sst s1  }
0xa: {  	[smem:$0x3FB0] =	sst s2  }
0xb: {  	[smem:$0x3FB1] =	sst s3  }
0xc: {  	[smem:$0x3FB2] =	sst s4  }
0xd: {  	[smem:$0x3FB3] =	sst s5  }
0xe: {  	[smem:$0x3FB4] =	sst s6  }
0xf: {  	[smem:$0x3FB5] =	sst s7  }
0x10: {  	[smem:$0x3FB6] =	sst s8  }
0x11: {  	[smem:$0x3FB7] =	sst s9;
	s0 =	simm.s32 @!p0 $0x0  }
0x12: {  	s1 =	sld [smem:$0x3F9D];
	s0 =	simm.s32 @p0 $0x1  }
0x13: {  	[smem:$0x3FB8] =	sst s0;
	s0 =	simm.s32 @!p1 $0x0  }
0x14: {  	s2 =	sld [smem:$0x3F9C];
	s0 =	simm.s32 @p1 $0x1  }
0x15: {  	[smem:$0x3FB9] =	sst s0;
	s0 =	simm.s32 @!p2 $0x0  }
0x16: {  	s3 =	sld [smem:$0x3FDB];
	s0 =	simm.s32 @p2 $0x1  }
0x17: {  	s4 =	simm.s32 $0x1BF5;
	[smem:$0x3FBB] =	sst s0  }
0x18: {  	s0 =	sld [smem:$0x3F9E];
	_ =	swait.ge [sflag:s4], $0x0  }
0x19: {  	s7 =	sld [smem:$0x3F9F]  }
0x1a: {  	s8 =	sadd.s32 $0xFFFFE003, lr  }
0x1b: {  	s9 =	sadd.s32 $0xFFFFFEF7, lr;
	s5 =	simm.s32 $0xFFFFFFFF;
	p2 =	slt.u32 s8, $0xFFFFF086  }
0x1c: {  	p1 =	slt.u32 s9, $0xF7A;
	s5 =	simm.s32 @!p2 $0x0  }
0x1d: {  	s5 =	simm.s32 @p1 $0x1;
	p0 =	seq.s32 s7, s2  }
0x1e: {  	s7 =	smul.u32 @!p0 $0xF7A, s2;
	p2 =	seq.s32 @!p0 s5, $0x0  }
0x1f: {  	s9 =	smul.u32 $0xF7A, s1;
	s8 =	simm.s32 @!p0 $0x1BF5;
	p2 =	por !p2, p0  }
0x20: {  	[sflag:s8] =	ssyncset.s32 @!p0 $0xFFFFF086;
	s6 =	sadd.s32 @!p0 s3, s7;
	s7 =	simm.s32 @!p0 $0x108  }
0x21: {  	s3 =	sadd.s32 s3, s9;
	s6 =	sadd.s32 @!p0 $0x88, s6;
	s7 =	simm.s32 @p2 $0x1082  }
0x22: {  	[simem:s7], [sflag:s8] =	dma.local @!p0 [hbm:s6], $0xF7A  }
0x23: {  	s9 =	sor.u32 $0xD0000000, s2;
	s6 =	simm.s32 $0x108;
	_ =	swait.ge @!p0 [sflag:s8], $0x0  }
0x24: {  	s3 =	sadd.s32 $0x88, s3;
	s6 =	simm.s32 @!p1 $0x1082;
	[sflag:s4] =	ssyncset.s32 $0xFFFFF086  }
0x25: {  	[simem:s6], [sflag:s4] =	dma.local [hbm:s3], $0xF7A  }
0x26: {  	[smem:$0x3F9F] =	sst s1;
	(tag) =	ssettag s2;
	_ =	strace s9  }
0x27: {  	s1 =	sld [smem:$0x3FAF]  }
0x28: {  	s2 =	sld [smem:$0x3FB0]  }
0x29: {  	s4 =	sld [smem:$0x3FB2]  }
0x2a: {  	p0 =	seq.s32 s5, $0x0;
	s5 =	sld [smem:$0x3FB3]  }
0x2b: {  	s6 =	sld [smem:$0x3FB4]  }
0x2c: {  	s7 =	sld [smem:$0x3FB5]  }
0x2d: {  	s3 =	simm.s32 $0x108;
	s8 =	sld [smem:$0x3FB6]  }
0x2e: {  	s3 =	simm.s32 @!p0 $0x1082;
	s9 =	sld [smem:$0x3FB7]  }
0x2f: {  	lr =	sadd.s32 s0, s3;
	s0 =	sld [smem:$0x3FAE]  }
0x30: {  	s3 =	sld [smem:$0x3FB1]  }
0x31: {  	[smem:$0x3FBA] =	sst s10  }
0x32: {  	s10 =	sld [smem:$0x3FB8];
	_ =	sdelay $0x3  }
0x33: {  	p0 =	seq.s32 s10, $0x1;
	s10 =	sld [smem:$0x3FBA];
	_ =	sdelay $0x3  }
0x34: {  	[smem:$0x3FBA] =	sst s10  }
0x35: {  	s10 =	sld [smem:$0x3FB9];
	_ =	sdelay $0x3  }
0x36: {  	p1 =	seq.s32 s10, $0x1;
	s10 =	sld [smem:$0x3FBA];
	_ =	sdelay $0x3  }
0x37: {  	[smem:$0x3FBA] =	sst s10  }
0x38: {  	s10 =	sld [smem:$0x3FBB]  }
0x39: {  	_ = 	snop;
	(pc) =	sbr.ind lr, $3  }
0x3a: {  	_ = 	snop  }
0x3b: {  	_ = 	snop  }
0x3c: {  	p2 =	seq.s32 s10, $0x1;
	s10 =	sld [smem:$0x3FBA]  }
0x3d: {  	_ =	shalt  }
0x3e: {  	_ =	shalt  }
0x3f: {  	_ =	shalt  }
0x40: {  	_ =	shalt  }
0x41: {  	_ =	shalt  }
0x42: {  	_ =	shalt  }
0x43: {  	_ =	shalt  }
0x44: {  	_ =	shalt  }
0x45: {  	_ =	shalt  }
0x46: {  	_ =	shalt  }
0x47: {  	_ =	shalt  }
0x48: {  	_ =	shalt  }
0x49: {  	_ =	shalt  }
0x4a: {  	_ =	shalt  }
0x4b: {  	_ =	shalt  }
0x4c: {  	_ =	shalt  }
0x4d: {  	_ =	shalt  }
0x4e: {  	_ =	shalt  }
0x4f: {  	_ =	shalt  }
0x50: {  	_ =	shalt  }
0x51: {  	_ =	shalt  }
0x52: {  	_ =	shalt  }
0x53: {  	_ =	shalt  }
0x54: {  	_ =	shalt  }
0x55: {  	_ =	shalt  }
0x56: {  	_ =	shalt  }
0x57: {  	_ =	shalt  }
0x58: {  	_ =	shalt  }
0x59: {  	_ =	shalt  }
0x5a: {  	_ =	shalt  }
0x5b: {  	_ =	shalt  }
0x5c: {  	_ =	shalt  }
0x5d: {  	_ =	shalt  }
0x5e: {  	_ =	shalt  }
0x5f: {  	_ =	shalt  }
0x60: {  	_ =	shalt  }
0x61: {  	_ =	shalt  }
0x62: {  	_ =	shalt  }
0x63: {  	_ =	shalt  }
0x64: {  	_ =	shalt  }
0x65: {  	_ =	shalt  }
0x66: {  	_ =	shalt  }
0x67: {  	_ =	shalt  }
0x68: {  	_ =	shalt  }
0x69: {  	_ =	shalt  }
0x6a: {  	_ =	shalt  }
0x6b: {  	_ =	shalt  }
0x6c: {  	_ =	shalt  }
0x6d: {  	_ =	shalt  }
0x6e: {  	_ =	shalt  }
0x6f: {  	_ =	shalt  }
0x70: {  	_ =	shalt  }
0x71: {  	_ =	shalt  }
0x72: {  	_ =	shalt  }
0x73: {  	_ =	shalt  }
0x74: {  	_ =	shalt  }
0x75: {  	_ =	shalt  }
0x76: {  	_ =	shalt  }
0x77: {  	_ =	shalt  }
0x78: {  	_ =	shalt  }
0x79: {  	_ =	shalt  }
0x7a: {  	_ =	shalt  }
0x7b: {  	_ =	shalt  }
0x7c: {  	_ =	shalt  }
0x7d: {  	_ =	shalt  }
0x7e: {  	_ =	shalt  }
0x7f: {  	_ =	shalt  }
0x80: {  	_ =	shalt  }
0x81: {  	_ =	shalt  }
0x82: {  	_ =	shalt  }
0x83: {  	_ =	shalt  }
0x84: {  	_ =	shalt  }
0x85: {  	_ =	shalt  }
0x86: {  	_ =	shalt  }
0x87: {  	_ =	shalt  }
.Lfunc_end0:
.L_simem_size_0:
called_computation_lowered:
.L_overlay_start_0:
0x88: {  	s2 =	sld [smem:$0x3FD9]  }
0x89: {  	s3 =	sld [smem:$0x3FFE];
	_ =	sdelay $0x1  }
0x8a: {  	s1 =	srdreg.scid  }
0x8b: {  	s0 =	sand.u32 $0x1, s1  }
0x8c: {  	s14 =	sshll.u32 s0, $0xA;
	s2 =	sadd.s32 s3, s2  }
0x8d: {  	s2 =	sadd.s32 s2, s14  }
0x8e: {  	[smem:$0x3FC6] =	sst s2  }
0x8f: {  	_ = 	snop  }
0x90: {  	s2 =	sld [smem:$0x3FD0];
	_ =	sdelay $0x2  }
0x91: {  	s15 =	simm.s32 $0xA;
	s4 =	simm.s32 $0x10  }
0x92: {  	[smem:s4], [sflag:s15] =	dma.local [hbm:s2], $0x1  }
0x93: {  	_ =	swait.eq [sflag:s15], $0x1  }
0x94: {  	[sflag:s15] =	ssyncset.done $0x0  }
0x95: {  	s16 =	sld [smem:$0x10];
	[sflag:s15] =	ssyncadd.s32 $0xFFFFFFFF  }
0x96: {  	s17 =	sld [smem:$0x11];
	(tm) =	ssettm $0x1  }
0x97: {  	s18 =	sld [smem:$0x3FFB];
	_ =	sdelay $0x3  }
0x98: {  	_ =	strace s18  }
0x99: {  	s4 =	sld [smem:$0x3FFC];
	_ =	sdelay $0x3  }
0x9a: {  	_ =	strace s4  }
0x9b: {  	s4 =	sld [smem:$0x3FFD];
	_ =	sdelay $0x3  }
0x9c: {  	_ =	strace s4  }
0x9d: {  	_ =	strace $0x8FFFFFFF  }
0x9e: {  	s19 =	sld [smem:$0x3FDB];
	_ =	sdelay $0x1  }
0x9f: {  	s5 =	simm.s32 $_scs_section_size  }
0xa0: {  	s6 =	simm.s32 $_size__tile_overlayer_lowered;
	s7 =	simm.s32 $_tile_overlayer_lowered  }
0xa1: {  	s22 =	simm.s32 $0x1BFF;
	s21 =	sshll.u32 s7, $0x1;
	s4 =	sadd.s32 s5, s19  }
0xa2: {  	s8 =	simm.s32 $0x0;
	s20 =	sshll.u32 s6, $0x1;
	s6 =	sadd.s32 s21, s4  }
0xa3: {  	[timem:s8], [sflag:s22] =	dma.local [hbm:s6], s20  }
0xa4: {  	_ =	swait.ge [sflag:s22], s20  }
0xa5: {  	s5 =	ssub.s32 $0x0, s20;
	[sflag:s22] =	ssyncset.done $0x0  }
0xa6: {  	[sflag:s22] =	ssyncadd.s32 s5;
	_ =	sdelay $0x1  }
0xa7: {  	s23 =	simm.s32 $0x1B8B  }
0xa8: {  	_ =	swait.ge [sflag:s23], $0x1  }
0xa9: {  	[sflag:s23] =	ssyncset.done $0x0  }
0xaa: {  	s25 =	simm.s32 $0x1B8E;
	s24 =	sld [smem:$0x3FFE];
	[sflag:s23] =	ssyncadd.s32 $0xFFFFFFFF  }
0xab: {  	s26 =	simm.s32 $execute0_lowered;
	[smem:$0x3FD2] =	sst s25  }
0xac: {  	s6 =	sshll.u32 s26, $0x1;
	_ =	strace $0x80000046;
	[dreg:$0x1] =	wrdreg $0xFFFFFFFF  }
0xad: {  	s28 =	simm.s32 $_size_execute0_lowered;
	s4 =	sadd.s32 s4, s6;
	[dreg:$0x0] =	wrdreg $0x0  }
0xae: {  	s6 =	sshll.u32 s28, $0x1;
	[dreg:$0x2] =	wrdreg s4  }
0xaf: {  	[dreg:$0x3] =	wrdreg s6  }
0xb0: {  	[dreg:$0x4] =	wrdreg $0xC0  }
0xb1: {  	_ =	task [dreg:s8], $0x5FFFF  }
0xb2: {  	[dreg:$0x1] =	wrdreg $0xFFFFFFFF  }
0xb3: {  	[dreg:$0x0] =	wrdreg $0x60  }
0xb4: {  	[dreg:$0x2] =	wrdreg s24  }
0xb5: {  	[dreg:$0x3] =	wrdreg s16  }
0xb6: {  	[dreg:$0x4] =	wrdreg s17  }
0xb7: {  	[dreg:$0x5] =	wrdreg $0x9  }
0xb8: {  	_ =	task.clear_ibuf [dreg:s8], $0x6FFFF;
	_ =	strace $0x90000046  }
0xb9: {  	s29 =	simm.s32 $0x9;
	_ =	strace $0x80000048  }
0xba: {  	_ =	swait.ge [sflag:s29], $0x1  }
0xbb: {  	[sflag:s29] =	ssyncadd.s32 $0xFFFFFFFF  }
0xbc: {  	_ =	strace $0x90000048  }
0xbd: {  	_ =	sfence  }
0xbe: {  	s30 =	sld [smem:$0x0];
	_ =	sdelay $0x2  }
0xbf: {  	s31 =	sshll.u32 s1, $0xD;
	s1 =	sshrl.u32 s1, $0x2  }
0xc0: {  	s3 =	sand.u32 $0x4000, s31;
	s1 =	sadd.s32 s1, s30  }
0xc1: {  	s0 =	sor.u32 s3, s0;
	s1 =	sshll.u32 s1, $0x11  }
0xc2: {  	s0 =	sor.u32 s1, s0  }
0xc3: {  	s0 =	sadd.s32 $0x8F2B, s0  }
0xc4: {  	[sflag:s0] =	ssyncadd.remote.s32 $0x1  }
0xc5: {  	_ =	sfence.sel $0xFFFF  }
0xc6: {  	[dreg:$0x0] =	wrdreg $0xFFFFFFFF;
	(pc) =	sbr.abs _section_cstart, $3  }
0xc7: {  	[dreg:$0x1] =	wrdreg $0xFFFFFFFF  }
0xc8: {  	_ =	task.clear_ibuf [dreg:s8], $0x2FFFF;
	_ =	strace $0x9FFFFFFF  }
0xc9: {  	(tm) =	ssettm $0x7FFFFFFF  }
tec
execute0_lowered:
.L_overlay_start_1:
0x0: {  	(tag) =	ssettag $0x1  }
0x1: {  	s7 =	rddreg [dreg:$0x0]  }
0x2: {  	s9 =	rddreg [dreg:$0x1]  }
0x3: {  	s10 =	rddreg [dreg:$0x2]  }
0x4: {  	s0 =	rddreg [dreg:$0x3];
	s1 =	simm.s32 $0x0  }
0x5: {  	s4 =	srdreg.scid;
	s2 =	stileid.u32;
	s14 =	simm.s32 $0x100  }
0x6: {  	s15 =	simm.s32 $0x200;
	s16 =	simm.s32 $0x300;
	s17 =	simm.s32 $0x400  }
0x7: {  	s18 =	simm.s32 $0x500;
	s19 =	simm.s32 $0x600;
	s20 =	simm.s32 $0x700  }
0x8: {  	s21 =	simm.s32 $0x800;
	s22 =	simm.s32 $0x900;
	s23 =	simm.s32 $0xA00  }
0x9: {  	s24 =	simm.s32 $0xB00;
	s25 =	simm.s32 $0xC00;
	s26 =	simm.s32 $0x0  }
0xa: {  	[smem:$0x7FF] =	sst s1;
	s3 =	sadd.s32 $0x1A00, s7;
	s6 =	sand.u32 $0x1, s4  }
0xb: {  	s4 =	sadd.s32 $0x1800, s7;
	s8 =	sshll.u32 s2, $0x6;
	s5 =	sadd.s32 $0x1600, s7  }
0xc: {  	_ =	strace $0x80000047;
	s11 =	sshll.u32 s6, $0x5;
	s30 =	ssub.s32 $0x2, s6  }
0xd: {  	s6 =	sadd.s32 $0x1400, s7;
	s11 =	sor.u32 s11, s8;
	s31 =	sshrl.u32 s30, $0x1  }
0xe: {  	s12 =	sadd.s32 s11, s7;
	s13 =	ssub.s32 s30, s31;
	s9 =	sadd.s32 s9, s11  }
0xf: {  	s10 =	sadd.s32 s10, s11;
	s7 =	sadd.s32 $0x1000, s12;
	s8 =	sadd.s32 $0xC00, s12  }
0x10: {  	s11 =	sadd.s32 $0x1C00, s12;
	s12 =	smax.u32 s13, $0x1;
	s13 =	simm.s32 $0x1  }
.LBB2_1:
0x11: {  	[tilespmem:s1], [sflag:$0x1] =	stream.linear.gather [hbm4b:s7+s1], $0x100, $0x38;
	[tilespmem:$0xD00] =	vst v63  }
0x12: {  	_ =	swait.ge [sflag:s13], $0x100  }
0x13: {  	[sflag:s13] =	ssyncset.done $0x0  }
0x14: {  	[sflag:s13] =	ssyncadd.s32 $0xFFFFFF00  }
0x15: {  	[tilespmem:s14], [sflag:$0x1] =	stream.linear.gather [hbm4b:s8+s1], $0x100, $0x38;
	[tilespmem:$0xD00] =	vst v63  }
0x16: {  	_ =	swait.ge [sflag:s13], $0x100  }
0x17: {  	[sflag:s13] =	ssyncset.done $0x0  }
0x18: {  	[sflag:s13] =	ssyncadd.s32 $0xFFFFFF00  }
0x19: {  	[tilespmem:s15], [sflag:$0x1] =	stream.linear.gather [hbm4b:s9+s1], $0x100, $0x38;
	[tilespmem:$0xD00] =	vst v63  }
0x1a: {  	_ =	swait.ge [sflag:s13], $0x100  }
0x1b: {  	[sflag:s13] =	ssyncset.done $0x0  }
0x1c: {  	[sflag:s13] =	ssyncadd.s32 $0xFFFFFF00  }
0x1d: {  	[tilespmem:s16], [sflag:$0x1] =	stream.linear.gather [hbm4b:s10+s1], $0x100, $0x38;
	[tilespmem:$0xD00] =	vst v63  }
0x1e: {  	_ =	swait.ge [sflag:s13], $0x100  }
0x1f: {  	[sflag:s13] =	ssyncset.done $0x0  }
0x20: {  	[sflag:s13] =	ssyncadd.s32 $0xFFFFFF00  }
0x21: {  	[tilespmem:s17], [sflag:$0x1] =	stream.linear.gather [hbm4b:s3+s1], $0x100, $0x38;
	[tilespmem:$0xD00] =	vst v63  }
0x22: {  	_ =	swait.ge [sflag:s13], $0x100  }
0x23: {  	[sflag:s13] =	ssyncset.done $0x0  }
0x24: {  	[sflag:s13] =	ssyncadd.s32 $0xFFFFFF00  }
0x25: {  	[tilespmem:s18], [sflag:$0x1] =	stream.linear.gather [hbm4b:s4+s1], $0x100, $0x38;
	[tilespmem:$0xD00] =	vst v63  }
0x26: {  	_ =	swait.ge [sflag:s13], $0x100  }
0x27: {  	[sflag:s13] =	ssyncset.done $0x0  }
0x28: {  	[sflag:s13] =	ssyncadd.s32 $0xFFFFFF00  }
0x29: {  	[tilespmem:s19], [sflag:$0x1] =	stream.linear.gather [hbm4b:s5+s1], $0x100, $0x38;
	[tilespmem:$0xD00] =	vst v63  }
0x2a: {  	_ =	swait.ge [sflag:s13], $0x100  }
0x2b: {  	[sflag:s13] =	ssyncset.done $0x0  }
0x2c: {  	[sflag:s13] =	ssyncadd.s32 $0xFFFFFF00  }
0x2d: {  	[tilespmem:s20], [sflag:$0x1] =	stream.linear.gather [hbm4b:s6+s1], $0x100, $0x38;
	[tilespmem:$0xD00] =	vst v63  }
0x2e: {  	_ =	swait.ge [sflag:s13], $0x100  }
0x2f: {  	[sflag:s13] =	ssyncset.done $0x0  }
0x30: {  	[sflag:s13] =	ssyncadd.s32 $0xFFFFFF00  }
0x31: {  	v0 =	vld [tilespmem:$0x400]  }
0x32: {  	v1 =	vld [tilespmem:$0x500]  }
0x33: {  	v2 =	vld [tilespmem:$0x600]  }
0x34: {  	v3 =	vld [tilespmem:$0x700]  }
0x35: {  	v4 =	vld [tilespmem:$0x410]  }
0x36: {  	v5 =	vld [tilespmem:$0x510]  }
0x37: {  	v6 =	vld [tilespmem:$0x610]  }
0x38: {  	v7 =	vld [tilespmem:$0x710]  }
0x39: {  	v8 =	vld [tilespmem:$0x420]  }
0x3a: {  	v9 =	vld [tilespmem:$0x520]  }
0x3b: {  	v12 =	vld [tilespmem:$0x620]  }
0x3c: {  	v13 =	vld [tilespmem:$0x720]  }
0x3d: {  	v49 =	vld [tilespmem:$0x430]  }
0x3e: {  	v14 =	vld [tilespmem:$0x530]  }
0x3f: {  	v52 =	vld [tilespmem:$0x630]  }
0x40: {  	v15 =	vld [tilespmem:$0x730]  }
0x41: {  	v60 =	vld [tilespmem:$0x540]  }
0x42: {  	v21 =	vld [tilespmem:$0x450];
	v2 =	vsub.f32 v2, v0  }
0x43: {  	v23 =	vld [tilespmem:$0x550];
	v3 =	vsub.f32 v3, v1  }
0x44: {  	v25 =	vld [tilespmem:$0x650];
	v6 =	vsub.f32 v6, v4;
	[tilespmem:$0x800] =	vst v2  }
0x45: {  	v28 =	vld [tilespmem:$0x750];
	v7 =	vsub.f32 v7, v5;
	[tilespmem:$0x900] =	vst v3  }
0x46: {  	v19 =	vld [tilespmem:$0x740];
	v56 =	vsub.f32 v12, v8;
	[tilespmem:$0x810] =	vst v6  }
0x47: {  	v32 =	vld [tilespmem:$0x560];
	v57 =	vsub.f32 v13, v9;
	[tilespmem:$0x910] =	vst v7  }
0x48: {  	v38 =	vld [tilespmem:$0x760];
	v22 =	vsub.f32 v15, v14;
	[tilespmem:$0x820] =	vst v56  }
0x49: {  	v41 =	vld [tilespmem:$0x470];
	v40 =	vsub.f32 v25, v21;
	v10 =	vmul.f32 v2, v2;
	[tilespmem:$0x920] =	vst v57  }
0x4a: {  	v46 =	vld [tilespmem:$0x670];
	v42 =	vsub.f32 v28, v23;
	v11 =	vmul.f32 v3, v3;
	v1 =	vmul.f32 v2, v1;
	[tilespmem:$0x930] =	vst v22  }
0x4b: {  	v0 =	vmul.f32 v3, v0;
	v51 =	vmul.f32 v6, v5;
	v5 =	vsub.f32 v52, v49;
	[tilespmem:$0x850] =	vst v40  }
0x4c: {  	v53 =	vmul.f32 v6, v6;
	v18 =	vmul.f32 v56, v9;
	v9 =	vsub.f32 v19, v60;
	[tilespmem:$0x950] =	vst v42  }
0x4d: {  	v58 =	vld [tilespmem:$0x440];
	v61 =	vmul.f32 v56, v56;
	v62 =	vmul.f32 v57, v57;
	v3 =	vsub.f32 v38, v32;
	[tilespmem:$0x830] =	vst v5  }
0x4e: {  	v63 =	vld [tilespmem:$0x640];
	v54 =	vmul.f32 v7, v7;
	v10 =	vadd.f32 v11, v10;
	v0 =	vsub.f32 v1, v0;
	[tilespmem:$0x940] =	vst v9  }
0x4f: {  	v30 =	vld [tilespmem:$0x460];
	v55 =	vmul.f32 v7, v4;
	v2 =	vadd.f32 v62, v61;
	v62 =	vsub.f32 v46, v41;
	[tilespmem:$0x960] =	vst v3  }
0x50: {  	v35 =	vld [tilespmem:$0x660];
	v59 =	vadd.f32 v54, v53;
	v50 =	vmul.f32 $2.500000000e+01, v10;
	[tilespmem:$0xA00] =	vst v0  }
0x51: {  	v47 =	vmul.f32 v40, v40;
	v48 =	vmul.f32 v42, v42;
	v52 =	vld [tilespmem:$0x480];
	v0 =	vsub.f32 v51, v55;
	[tilespmem:$0x870] =	vst v62  }
0x52: {  	v20 =	vmul.f32 v57, v8;
	v57 =	vld [tilespmem:$0x680];
	v1 =	vmul.f32 $2.500000000e+01, v59;
	[tilespmem:$0xB00] =	vst v50  }
0x53: {  	v43 =	vld [tilespmem:$0x570];
	v27 =	vmul.f32 v22, v22;
	v53 =	vadd.f32 v48, v47;
	v2 =	vmul.f32 $2.500000000e+01, v2;
	[tilespmem:$0xA10] =	vst v0  }
0x54: {  	v25 =	vld [tilespmem:$0x790];
	v29 =	vmul.f32 v22, v49;
	v26 =	vmul.f32 v5, v5;
	v10 =	vsub.f32 v63, v58;
	[tilespmem:$0xB10] =	vst v1  }
0x55: {  	v49 =	vld [tilespmem:$0x770];
	v39 =	vmul.f32 v9, v58;
	v58 =	vmul.f32 $2.500000000e+01, v53;
	[tilespmem:$0xB20] =	vst v2  }
0x56: {  	v19 =	vld [tilespmem:$0x590];
	v51 =	vsub.f32 v35, v30;
	[tilespmem:$0x840] =	vst v10  }
0x57: {  	v22 =	vld [tilespmem:$0x690];
	v31 =	vadd.f32 v27, v26;
	v27 =	vsub.f32 v57, v52;
	[tilespmem:$0xB50] =	vst v58  }
0x58: {  	v54 =	vld [tilespmem:$0x580];
	v0 =	vsub.f32 v18, v20;
	[tilespmem:$0x860] =	vst v51  }
0x59: {  	v24 =	vmul.f32 v5, v14;
	v48 =	vld [tilespmem:$0x7B0];
	v36 =	vmul.f32 $2.500000000e+01, v31;
	[tilespmem:$0x880] =	vst v27  }
0x5a: {  	v34 =	vmul.f32 v9, v9;
	v63 =	vld [tilespmem:$0x490];
	v33 =	vmul.f32 v10, v10;
	v18 =	vsub.f32 v49, v43;
	[tilespmem:$0xA20] =	vst v0  }
0x5b: {  	v37 =	vmul.f32 v10, v60;
	v50 =	vmul.f32 v42, v21;
	v60 =	vld [tilespmem:$0x780];
	v0 =	vsub.f32 v24, v29;
	[tilespmem:$0xB30] =	vst v36  }
0x5c: {  	v42 =	vld [tilespmem:$0x5B0];
	v4 =	vadd.f32 v34, v33;
	v26 =	vmul.f32 v18, v41;
	[tilespmem:$0x970] =	vst v18;
	v41 =	vsub.f32 v25, v19  }
0x5d: {  	[tilespmem:$0xA30] =	vst v0;
	v0 =	vsub.f32 v37, v39  }
0x5e: {  	v45 =	vmul.f32 v40, v23;
	v40 =	vld [tilespmem:$0x4B0];
	v44 =	vmul.f32 $2.500000000e+01, v4;
	[tilespmem:$0x990] =	vst v41  }
0x5f: {  	v56 =	vmul.f32 v3, v3;
	v55 =	vmul.f32 v51, v51;
	v29 =	vld [tilespmem:$0x4A0];
	v39 =	vsub.f32 v22, v63;
	[tilespmem:$0xA40] =	vst v0  }
0x60: {  	v23 =	vmul.f32 v62, v62;
	v24 =	vmul.f32 v18, v18;
	v34 =	vld [tilespmem:$0x6A0];
	v28 =	vsub.f32 v60, v54;
	[tilespmem:$0xB40] =	vst v44  }
0x61: {  	v31 =	vld [tilespmem:$0x5A0];
	v4 =	vadd.f32 v56, v55;
	v49 =	vmul.f32 v41, v63;
	v63 =	vsub.f32 v48, v42;
	[tilespmem:$0x890] =	vst v39  }
0x62: {  	v61 =	vmul.f32 v3, v30;
	v30 =	vadd.f32 v24, v23;
	v37 =	vld [tilespmem:$0x7A0];
	v0 =	vsub.f32 v45, v50;
	[tilespmem:$0x980] =	vst v28  }
0x63: {  	v53 =	vld [tilespmem:$0x5C0];
	v59 =	vmul.f32 v51, v32;
	v20 =	vmul.f32 $2.500000000e+01, v4;
	[tilespmem:$0x9B0] =	vst v63  }
0x64: {  	v21 =	vmul.f32 v62, v43;
	v51 =	vld [tilespmem:$0x4C0];
	v35 =	vmul.f32 $2.500000000e+01, v30;
	[tilespmem:$0xA50] =	vst v0  }
0x65: {  	v47 =	vmul.f32 v41, v41;
	v56 =	vld [tilespmem:$0x6C0];
	v46 =	vmul.f32 v39, v39;
	v50 =	vsub.f32 v34, v29;
	[tilespmem:$0xB60] =	vst v20  }
0x66: {  	v62 =	vld [tilespmem:$0x4D0];
	v32 =	vmul.f32 v27, v27;
	v33 =	vmul.f32 v28, v28;
	v0 =	vsub.f32 v59, v61;
	[tilespmem:$0xB70] =	vst v35  }
0x67: {  	v45 =	vld [tilespmem:$0x6B0];
	v38 =	vmul.f32 v28, v52;
	v52 =	vadd.f32 v47, v46;
	v9 =	vsub.f32 v37, v31;
	[tilespmem:$0x8A0] =	vst v50  }
0x68: {  	v18 =	vld [tilespmem:$0x5D0];
	[tilespmem:$0xA60] =	vst v0;
	v0 =	vsub.f32 v21, v26  }
0x69: {  	v24 =	vld [tilespmem:$0x7D0];
	v4 =	vadd.f32 v33, v32;
	v57 =	vmul.f32 $2.500000000e+01, v52;
	[tilespmem:$0x9A0] =	vst v9  }
0x6a: {  	v59 =	vld [tilespmem:$0x7C0];
	v26 =	vsub.f32 v56, v51;
	[tilespmem:$0xA70] =	vst v0  }
0x6b: {  	v36 =	vmul.f32 v27, v54;
	v27 =	vld [tilespmem:$0x4E0];
	v43 =	vmul.f32 $2.500000000e+01, v4;
	[tilespmem:$0xB90] =	vst v57  }
0x6c: {  	v32 =	vld [tilespmem:$0x6E0];
	v61 =	vsub.f32 v45, v40;
	[tilespmem:$0x8C0] =	vst v26  }
0x6d: {  	v44 =	vmul.f32 v39, v19;
	v39 =	vld [tilespmem:$0x4F0];
	v0 =	vsub.f32 v36, v38;
	[tilespmem:$0xB80] =	vst v43  }
0x6e: {  	v54 =	vmul.f32 v50, v50;
	v21 =	vld [tilespmem:$0x6D0];
	v55 =	vmul.f32 v9, v9;
	v38 =	vsub.f32 v24, v18;
	[tilespmem:$0x8B0] =	vst v61  }
0x6f: {  	v23 =	vmul.f32 v63, v63;
	v35 =	vld [tilespmem:$0x7E0];
	v3 =	vsub.f32 v59, v53;
	[tilespmem:$0xA80] =	vst v0  }
0x70: {  	v60 =	vmul.f32 v9, v29;
	v29 =	vld [tilespmem:$0x5E0];
	v4 =	vadd.f32 v55, v54;
	v0 =	vsub.f32 v44, v49;
	[tilespmem:$0x9D0] =	vst v38  }
0x71: {  	v25 =	vmul.f32 v63, v40;
	v58 =	vmul.f32 v50, v31;
	v45 =	vld [tilespmem:$0x6F0];
	v47 =	vsub.f32 v32, v27;
	[tilespmem:$0x9C0] =	vst v3  }
0x72: {  	v30 =	vmul.f32 v26, v26;
	v19 =	vmul.f32 $2.500000000e+01, v4;
	[tilespmem:$0xA90] =	vst v0  }
0x73: {  	v48 =	vld [tilespmem:$0x7F0];
	v34 =	vmul.f32 v26, v53;
	v22 =	vmul.f32 v61, v61;
	v37 =	vsub.f32 v21, v62;
	[tilespmem:$0x8E0] =	vst v47  }
0x74: {  	v20 =	vmul.f32 v61, v42;
	v42 =	vld [tilespmem:$0x5F0];
	v44 =	vmul.f32 v38, v38;
	v0 =	vsub.f32 v58, v60;
	[tilespmem:$0xBA0] =	vst v19  }
0x75: {  	v46 =	vmul.f32 v38, v62;
	v28 =	vadd.f32 v23, v22;
	v10 =	vsub.f32 v35, v29;
	[tilespmem:$0x8D0] =	vst v37  }
0x76: {  	v31 =	vmul.f32 v3, v3;
	v36 =	vmul.f32 v3, v51;
	v56 =	vsub.f32 v45, v39;
	[tilespmem:$0xAA0] =	vst v0  }
0x77: {  	v50 =	vmul.f32 v47, v47;
	v33 =	vmul.f32 $2.500000000e+01, v28;
	[tilespmem:$0x9E0] =	vst v10  }
0x78: {  	v54 =	vmul.f32 v47, v29;
	v4 =	vadd.f32 v31, v30;
	v0 =	vsub.f32 v20, v25;
	[tilespmem:$0x8F0] =	vst v56  }
0x79: {  	v41 =	vmul.f32 v37, v18;
	v43 =	vmul.f32 v37, v37;
	v57 =	vsub.f32 v48, v42;
	[tilespmem:$0xBB0] =	vst v33  }
0x7a: {  	v55 =	vmul.f32 v10, v27;
	v40 =	vmul.f32 $2.500000000e+01, v4;
	[tilespmem:$0xAB0] =	vst v0  }
0x7b: {  	v51 =	vmul.f32 v10, v10;
	v58 =	vmul.f32 v56, v56;
	v0 =	vsub.f32 v34, v36;
	[tilespmem:$0x9F0] =	vst v57  }
0x7c: {  	v60 =	vmul.f32 v56, v42;
	v49 =	vadd.f32 v44, v43;
	v2 =	vsub.f32 v54, v55;
	[tilespmem:$0xBC0] =	vst v40  }
0x7d: {  	v53 =	vadd.f32 v51, v50;
	v59 =	vmul.f32 v57, v57;
	[tilespmem:$0xAC0] =	vst v0;
	v0 =	vsub.f32 v41, v46  }
0x7e: {  	v61 =	vmul.f32 v57, v39;
	v52 =	vmul.f32 $2.500000000e+01, v49;
	[tilespmem:$0xAE0] =	vst v2  }
0x7f: {  	v62 =	vadd.f32 v59, v58;
	[tilespmem:$0xAD0] =	vst v0;
	v0 =	vmul.f32 $2.500000000e+01, v53  }
0x80: {  	v63 =	vsub.f32 v60, v61;
	[tilespmem:$0xBD0] =	vst v52  }
0x81: {  	[tilespmem:$0xBE0] =	vst v0;
	v0 =	vmul.f32 $2.500000000e+01, v62  }
0x82: {  	[tilespmem:$0xAF0] =	vst v63  }
0x83: {  	s28 =	simm.s32 $0x0;
	[tilespmem:$0xBF0] =	vst v0  }
.LBB2_2:
0x84: {  	s29 =	sshll.u32 s28, $0x5;
	v0 =	vimm.s32 $0x0  }
0x85: {  	v2 =	vld [tilespmem:s29+$0x10]  }
0x86: {  	v54 =	vld [tilespmem:s29+$0x110];
	v8 =	vor.u32 $0x1, v0  }
0x87: {  	v3 =	vld [tilespmem:s29+$0x210]  }
0x88: {  	v4 =	vld [tilespmem:s29+$0x310];
	v6 =	vor.u32 $0x2, v0  }
0x89: {  	v12 =	vld.idx.msk [tilespmem:v0+s21+$0x0], $0xffff  }
0x8a: {  	v5 =	vor.u32 $0x3, v0;
	v14 =	vld.idx.msk [tilespmem:v0+s22+$0x0], $0xffff  }
0x8b: {  	v16 =	vld.idx.msk [tilespmem:v8+s21+$0x0], $0xffff  }
0x8c: {  	v7 =	vor.u32 $0x5, v0;
	v15 =	vld.idx.msk [tilespmem:v8+s22+$0x0], $0xffff  }
0x8d: {  	v18 =	vld.idx.msk [tilespmem:v6+s21+$0x0], $0xffff  }
0x8e: {  	v13 =	vor.u32 $0x6, v0;
	v17 =	vld.idx.msk [tilespmem:v6+s22+$0x0], $0xffff  }
0x8f: {  	v55 =	vsub.f32 v3, v2;
	v19 =	vld.idx.msk [tilespmem:v5+s21+$0x0], $0xffff  }
0x90: {  	v28 =	vor.u32 $0x7, v0;
	v56 =	vsub.f32 v4, v54;
	v20 =	vld.idx.msk [tilespmem:v5+s22+$0x0], $0xffff  }
0x91: {  	v22 =	vld.idx.msk [tilespmem:v7+s21+$0x0], $0xffff;
	v9 =	vmul.f32 v12, v55;
	v21 =	vmul.f32 v14, v55  }
0x92: {  	v23 =	vld.idx.msk [tilespmem:v7+s22+$0x0], $0xffff;
	v10 =	vmul.f32 v14, v56;
	v29 =	vmul.f32 v12, v54  }
0x93: {  	v26 =	vld.idx.msk [tilespmem:v13+s21+$0x0], $0xffff;
	v30 =	vmul.f32 v12, v56;
	v31 =	vmul.f32 v14, v2  }
0x94: {  	v27 =	vld.idx.msk [tilespmem:v13+s22+$0x0], $0xffff;
	v33 =	vmul.f32 v16, v55;
	v35 =	vmul.f32 v15, v55  }
0x95: {  	v24 =	vld.idx.msk [tilespmem:v28+s21+$0x0], $0xffff;
	v39 =	vmul.f32 v15, v56;
	v40 =	vmul.f32 v16, v56  }
0x96: {  	v25 =	vld.idx.msk [tilespmem:v28+s22+$0x0], $0xffff;
	v42 =	vmul.f32 v17, v55;
	v43 =	vmul.f32 v18, v56  }
0x97: {  	v44 =	vmul.f32 v19, v55;
	v45 =	vmul.f32 v20, v56  }
0x98: {  	v46 =	vmul.f32 v20, v55;
	v47 =	vmul.f32 v19, v56  }
0x99: {  	v32 =	vmul.f32 v23, v55;
	v34 =	vmul.f32 v22, v56  }
0x9a: {  	v36 =	vmul.f32 v26, v55;
	v38 =	vmul.f32 v27, v56  }
0x9b: {  	v48 =	vor.u32 $0x4, v0;
	v49 =	vmul.f32 v24, v55;
	v50 =	vmul.f32 v25, v56  }
0x9c: {  	v3 =	vmul.f32 v22, v54;
	v52 =	vmul.f32 v23, v2  }
0x9d: {  	v57 =	vld.idx.msk [tilespmem:v13+s23+$0x0], $0xffff;
	v60 =	vmul.f32 v26, v54;
	v62 =	vmul.f32 v27, v2;
	v11 =	vadd.f32 v10, v9  }
0x9e: {  	v4 =	vld.idx.msk [tilespmem:v28+s24+$0x0], $0xffff;
	v63 =	vmul.f32 v24, v54;
	v10 =	vsub.f32 v29, v31;
	v41 =	vsub.f32 v21, v30  }
0x9f: {  	v0 =	vmul.f32 v25, v2;
	v9 =	vld.idx.msk [tilespmem:v7+s23+$0x0], $0xffff;
	v53 =	vsub.f32 v32, v34;
	v61 =	vadd.f32 v38, v36  }
0xa0: {  	v51 =	vmul.f32 v27, v55;
	v21 =	vld.idx.msk [tilespmem:v48+s21+$0x0], $0xffff;
	v49 =	vadd.f32 v50, v49;
	v31 =	vsub.f32 v3, v52  }
0xa1: {  	v29 =	vmul.f32 v26, v56;
	v38 =	vsub.f32 v60, v62;
	v32 =	vld.idx.msk [tilespmem:v13+s24+$0x0], $0xffff;
	v13 =	vsub.f32 v63, v0  }
0xa2: {  	v30 =	vmul.f32 v25, v55;
	v3 =	vld.idx.msk [tilespmem:v28+s23+$0x0], $0xffff;
	v50 =	vadd.f32 v39, v33;
	v42 =	vsub.f32 v42, v43  }
0xa3: {  	v28 =	vld.idx.msk [tilespmem:v48+s22+$0x0], $0xffff;
	v52 =	vmul.f32 v18, v54;
	v43 =	vadd.f32 v45, v44;
	v45 =	vsub.f32 v46, v47  }
0xa4: {  	v44 =	vmul.f32 v18, v55;
	v51 =	vsub.f32 v51, v29;
	v29 =	vld.idx.msk [tilespmem:v7+s24+$0x0], $0xffff;
	v7 =	vmul.f32 v24, v56  }
0xa5: {  	v34 =	vmul.f32 v61, v61;
	v38 =	vsub.f32 v38, v57;
	v49 =	vmul.f32 v49, v49  }
0xa6: {  	v43 =	vmul.f32 v43, v43;
	v1 =	vmul.f32 v51, v51;
	v7 =	vsub.f32 v30, v7  }
0xa7: {  	v59 =	vmul.f32 $3.109120390e-02, v34;
	v51 =	vsub.f32 v38, v51;
	v38 =	vmul.f32 v38, v38  }
0xa8: {  	v31 =	vsub.f32 v31, v9;
	v30 =	vmul.f32 v21, v55;
	v62 =	vmul.f32 $3.109120390e-02, v49  }
0xa9: {  	v49 =	vsub.f32 v35, v40;
	v43 =	vmul.f32 $3.109120390e-02, v43;
	v63 =	vmul.f32 v28, v55  }
0xaa: {  	v13 =	vsub.f32 v13, v3;
	v0 =	vmul.f32 v28, v2;
	v58 =	vmul.f32 v31, v31  }
0xab: {  	vm0 =	vlt.f32 v1, v59;
	vm2 =	vle.f32 v38, v32;
	v61 =	vmul.f32 v51, v51  }
0xac: {  	v31 =	vsub.f32 v31, v53;
	v51 =	vmul.f32 v21, v56;
	v59 =	vmul.f32 v19, v54  }
0xad: {  	v38 =	vmul.f32 v15, v2;
	v60 =	vmul.f32 v13, v13;
	v13 =	vsub.f32 v13, v7  }
0xae: {  	v7 =	vmul.f32 v7, v7;
	vm1 =	vle.f32 v58, v29;
	v31 =	vmul.f32 v31, v31  }
0xaf: {  	vm4 =	vle.f32 v61, v32;
	v58 =	vmul.f32 v22, v55;
	v61 =	vmul.f32 v20, v2  }
0xb0: {  	v40 =	vld.idx.msk [tilespmem:v5+s23+$0x0], $0xffff;
	v46 =	vsub.f32 v63, v51;
	vm3 =	vle.f32 v60, v4;
	v13 =	vmul.f32 v13, v13  }
0xb1: {  	vm2 =	vmand vm2, vm4;
	v60 =	vmul.f32 v23, v56;
	v33 =	vsub.f32 v59, v61  }
0xb2: {  	vm0 =	vmand vm0, vm2;
	v61 =	vmul.f32 v17, v56;
	vm4 =	vle.f32 v13, v4  }
0xb3: {  	v1 =	vld.idx.msk [tilespmem:v48+s23+$0x0], $0xffff;
	v39 =	vadd.f32 v60, v58;
	vm3 =	vmand vm3, vm4;
	vm4 =	vle.f32 v31, v29  }
0xb4: {  	vm1 =	vmand vm1, vm4;
	vm4 =	vlt.f32 v7, v62;
	v7 =	vmul.f32 v21, v54  }
0xb5: {  	[tilespmem:$0x1FF80] =	vst v55;
	v34 =	vld [tilespmem:s29+$0x0];
	v13 =	vmul.f32 v28, v56;
	v55 =	vsub.f32 v33, v40;
	v44 =	vadd.f32 v61, v44  }
0xb6: {  	v31 =	vld.idx.msk [tilespmem:v48+s24+$0x0], $0xffff;
	v48 =	vmul.f32 v41, v41;
	v61 =	vmul.f32 v49, v49;
	v7 =	vsub.f32 v7, v0  }
0xb7: {  	v60 =	vld [tilespmem:s29+$0x200];
	v13 =	vadd.f32 v13, v30;
	v62 =	vmul.f32 v17, v2;
	v39 =	vmul.f32 v39, v39  }
0xb8: {  	v30 =	vld.idx.msk [tilespmem:v6+s23+$0x0], $0xffff;
	vm3 =	vmand vm4, vm3;
	v59 =	vsub.f32 v55, v45;
	v7 =	vsub.f32 v7, v1  }
0xb9: {  	v45 =	vmul.f32 v45, v45;
	v44 =	vmul.f32 v44, v44;
	v47 =	vsub.f32 v52, v62  }
0xba: {  	v0 =	vmul.f32 v53, v53;
	v58 =	vmul.f32 $3.109120390e-02, v39;
	v63 =	vsub.f32 v7, v46  }
0xbb: {  	v33 =	vld.idx.msk [tilespmem:v5+s24+$0x0], $0xffff;
	v62 =	vmul.f32 v13, v13;
	vm3 =	vmor vm3, vm0;
	v7 =	vmul.f32 v7, v7  }
0xbc: {  	v52 =	vmul.f32 v27, v34;
	v35 =	vsub.f32 v60, v34;
	v5 =	vmul.f32 v63, v63  }
0xbd: {  	v44 =	vmul.f32 $3.109120390e-02, v44;
	v37 =	vsub.f32 v47, v30;
	vm2 =	vle.f32 v7, v31  }
0xbe: {  	v13 =	vld.idx.msk [tilespmem:v8+s23+$0x0], $0xffff;
	v7 =	vmul.f32 v55, v55;
	v63 =	vmul.f32 v16, v54;
	vm4 =	vle.f32 v5, v31  }
0xbf: {  	[tilespmem:$0x1FFA0] =	vst v54;
	v54 =	vld.idx.msk [tilespmem:v6+s24+$0x0], $0xffff;
	v6 =	vmul.f32 $3.109120390e-02, v62;
	vm2 =	vmand vm2, vm4;
	vm4 =	vlt.f32 v0, v58  }
0xc0: {  	vm1 =	vmand vm4, vm1;
	vm4 =	vle.f32 v7, v33;
	v7 =	vmul.f32 v59, v59  }
0xc1: {  	v55 =	vsub.f32 v37, v42;
	v62 =	vmul.f32 v50, v50;
	v0 =	vmul.f32 v46, v46  }
0xc2: {  	v42 =	vmul.f32 v42, v42;
	v47 =	vsub.f32 v63, v38;
	vm0 =	vle.f32 v7, v33  }
0xc3: {  	vm0 =	vmand vm4, vm0;
	vm4 =	vlt.f32 v0, v6;
	v6 =	vimm.s32 $0x0  }
0xc4: {  	[tilespmem:$0x1FF90] =	vst v56;
	v56 =	vmul.f32 v55, v55;
	v50 =	vmul.f32 $3.109120390e-02, v62;
	v60 =	vsub.f32 v47, v13;
	v7 =	vld [tilespmem:s29+$0x100]  }
0xc5: {  	v8 =	vld.idx.msk [tilespmem:v8+s24+$0x0], $0xffff;
	v46 =	vmul.f32 v37, v37;
	v59 =	vmul.f32 v11, v11  }
0xc6: {  	vm1 =	vmor vm3, vm1;
	vm3 =	vle.f32 v56, v54;
	v49 =	vsub.f32 v60, v49  }
0xc7: {  	v56 =	vmul.f32 v25, v34;
	vm2 =	vmand vm4, vm2;
	vm4 =	vle.f32 v46, v54  }
0xc8: {  	v36 =	vmul.f32 v60, v60;
	v37 =	vmul.f32 v49, v49;
	vm3 =	vmand vm4, vm3;
	v0 =	vld.idx.msk [tilespmem:v6+s23+$0x0], $0xffff  }
0xc9: {  	v58 =	vld [tilespmem:s29+$0x300];
	vm4 =	vlt.f32 v45, v43;
	vm1 =	vmor vm1, vm2;
	v55 =	vmul.f32 v24, v7  }
0xca: {  	vm0 =	vmand vm4, vm0;
	vm4 =	vle.f32 v36, v8;
	vm2 =	vle.f32 v37, v8  }
0xcb: {  	v37 =	vmul.f32 v23, v35;
	vm2 =	vmand vm4, vm2;
	v43 =	vsub.f32 v55, v56  }
0xcc: {  	vm4 =	vlt.f32 v42, v44;
	v42 =	vmul.f32 $3.109120390e-02, v59;
	vm0 =	vmor vm1, vm0  }
0xcd: {  	v51 =	vmul.f32 v26, v7;
	v3 =	vsub.f32 v43, v3;
	v63 =	vsub.f32 v10, v0  }
0xce: {  	v60 =	vmul.f32 v22, v7;
	v53 =	vld.idx.msk [tilespmem:v6+s24+$0x0], $0xffff;
	v10 =	vsub.f32 v58, v7;
	v58 =	vmul.f32 v27, v35  }
0xcf: {  	vm3 =	vmand vm4, vm3;
	v55 =	vmul.f32 v3, v3;
	v38 =	vmul.f32 v63, v63  }
0xd0: {  	v41 =	vsub.f32 v63, v41;
	v59 =	vmul.f32 v26, v10;
	v63 =	vmul.f32 v25, v35  }
0xd1: {  	vm0 =	vmor vm0, vm3;
	v36 =	vmul.f32 v24, v10;
	v26 =	vmul.f32 v26, v35  }
0xd2: {  	vm5 =	vle.f32 v55, v4;
	v27 =	vmul.f32 v27, v10;
	v24 =	vmul.f32 v24, v35  }
0xd3: {  	v25 =	vmul.f32 v25, v10;
	v41 =	vmul.f32 v41, v41;
	vm4 =	vle.f32 v38, v53  }
0xd4: {  	v38 =	vmul.f32 v22, v10;
	v26 =	vadd.f32 v27, v26;
	v27 =	vmul.f32 v20, v34  }
0xd5: {  	v24 =	vadd.f32 v25, v24;
	v22 =	vmul.f32 v22, v35;
	vm1 =	vle.f32 v41, v53  }
0xd6: {  	v41 =	vsub.f32 v51, v52;
	v52 =	vsub.f32 v37, v38;
	v26 =	vmul.f32 v26, v26  }
0xd7: {  	v24 =	vmul.f32 v24, v24;
	vm1 =	vmand vm4, vm1;
	vm4 =	vlt.f32 v61, v50  }
0xd8: {  	v61 =	vmul.f32 v23, v34;
	v5 =	vsub.f32 v41, v57;
	v41 =	vsub.f32 v58, v59  }
0xd9: {  	v23 =	vmul.f32 v23, v10;
	vm2 =	vmand vm4, vm2;
	vm4 =	vlt.f32 v48, v42  }
0xda: {  	v57 =	vmul.f32 v21, v7;
	v62 =	vsub.f32 v60, v61;
	v39 =	vsub.f32 v5, v41  }
0xdb: {  	v48 =	vsub.f32 v63, v36;
	v59 =	vmul.f32 v19, v7;
	v26 =	vmul.f32 $3.109120390e-02, v26  }
0xdc: {  	v24 =	vmul.f32 $3.109120390e-02, v24;
	v51 =	vsub.f32 v62, v9;
	v9 =	vmul.f32 v39, v39  }
0xdd: {  	vm1 =	vmand vm4, vm1;
	vm0 =	vmor vm0, vm2;
	v60 =	vmul.f32 v28, v35  }
0xde: {  	v61 =	vmul.f32 v21, v10;
	vm3 =	vle.f32 v9, v32;
	v9 =	vsub.f32 v51, v52  }
0xdf: {  	v22 =	vadd.f32 v23, v22;
	v23 =	vmul.f32 v20, v35;
	v21 =	vmul.f32 v21, v35  }
0xe0: {  	vm0 =	vmor vm0, vm1;
	v58 =	vmul.f32 v51, v51;
	v56 =	vmul.f32 v9, v9  }
0xe1: {  	v20 =	vmul.f32 v20, v10;
	v45 =	vsub.f32 v3, v48;
	v46 =	vsel vm0, $0x1, v6  }
0xe2: {  	vm1 =	vle.f32 v58, v29;
	vm0 =	vle.f32 v56, v29;
	v29 =	vmul.f32 v28, v34  }
0xe3: {  	v5 =	vmul.f32 v5, v5;
	v27 =	vsub.f32 v59, v27;
	v22 =	vmul.f32 v22, v22  }
0xe4: {  	v62 =	vmul.f32 v48, v48;
	v45 =	vmul.f32 v45, v45;
	v29 =	vsub.f32 v57, v29  }
0xe5: {  	vm2 =	vle.f32 v5, v32;
	v27 =	vsub.f32 v27, v40;
	v22 =	vmul.f32 $3.109120390e-02, v22  }
0xe6: {  	vm4 =	vle.f32 v45, v4;
	v25 =	vsub.f32 v29, v1;
	v29 =	vmul.f32 v41, v41  }
0xe7: {  	v32 =	vsub.f32 v60, v61;
	vm2 =	vmand vm2, vm3;
	vm3 =	vmand vm5, vm4  }
0xe8: {  	vm0 =	vmand vm1, vm0;
	vm4 =	vlt.f32 v29, v26;
	v26 =	vmul.f32 v19, v10  }
0xe9: {  	v29 =	vsub.f32 v25, v32;
	v25 =	vmul.f32 v25, v25;
	vm2 =	vmand vm4, vm2  }
0xea: {  	vm4 =	vlt.f32 v62, v24;
	v24 =	vmul.f32 v52, v52;
	v23 =	vsub.f32 v23, v26  }
0xeb: {  	v26 =	vmul.f32 v29, v29;
	vm4 =	vmand vm4, vm3;
	vm5 =	vle.f32 v25, v31  }
0xec: {  	v25 =	vmul.f32 v27, v27;
	vm3 =	vlt.f32 v24, v22;
	v24 =	vmul.f32 v18, v7  }
0xed: {  	vm4 =	vmor vm4, vm2;
	v29 =	vsub.f32 v27, v23;
	vm1 =	vle.f32 v26, v31  }
0xee: {  	vm2 =	vle.f32 v25, v33;
	v25 =	vmul.f32 v16, v7;
	v26 =	vmul.f32 v15, v34  }
0xef: {  	vm3 =	vmand vm3, vm0;
	v27 =	vmul.f32 v28, v10;
	v22 =	vmul.f32 v29, v29  }
0xf0: {  	v28 =	vmul.f32 v19, v35;
	vm1 =	vmand vm5, vm1;
	v25 =	vsub.f32 v25, v26  }
0xf1: {  	v26 =	vmul.f32 v18, v10;
	vm0 =	vle.f32 v22, v33;
	v22 =	vmul.f32 v17, v34  }
0xf2: {  	v21 =	vadd.f32 v27, v21;
	v27 =	vmul.f32 v12, v7;
	v29 =	vmul.f32 v14, v34  }
0xf3: {  	v20 =	vadd.f32 v20, v28;
	v22 =	vsub.f32 v24, v22;
	v24 =	vmul.f32 v17, v35  }
0xf4: {  	v18 =	vmul.f32 v18, v35;
	v28 =	vsub.f32 v25, v13;
	v25 =	vmul.f32 v16, v35  }
0xf5: {  	v21 =	vmul.f32 v21, v21;
	v20 =	vmul.f32 v20, v20;
	v19 =	vsub.f32 v24, v26  }
0xf6: {  	v24 =	vmul.f32 v15, v35;
	v26 =	vsub.f32 v27, v29;
	v27 =	vmul.f32 v16, v10  }
0xf7: {  	vm3 =	vmor vm4, vm3;
	v17 =	vmul.f32 v17, v10;
	v15 =	vmul.f32 v15, v10  }
0xf8: {  	v22 =	vsub.f32 v22, v30;
	v16 =	vsub.f32 v24, v27;
	v24 =	vmul.f32 v14, v35  }
0xf9: {  	v27 =	vadd.f32 v17, v18;
	v18 =	vmul.f32 v12, v10;
	v25 =	vadd.f32 v15, v25  }
0xfa: {  	v12 =	vmul.f32 v12, v35;
	v14 =	vmul.f32 v14, v10;
	v17 =	vsub.f32 v26, v0  }
0xfb: {  	v15 =	vsub.f32 v22, v19;
	v26 =	vmul.f32 $3.109120390e-02, v20;
	v29 =	vmul.f32 v27, v27  }
0xfc: {  	[tilespmem:$0x1FFB0] =	vst v2;
	v27 =	vmul.f32 $3.109120390e-02, v21;
	v14 =	vadd.f32 v14, v12;
	v12 =	vmul.f32 v32, v32  }
0xfd: {  	[tilespmem:$0x1FFD0] =	vst v34;
	v18 =	vsub.f32 v24, v18;
	v24 =	vmul.f32 v15, v15;
	v15 =	vmul.f32 v22, v22  }
0xfe: {  	[tilespmem:$0x1FFE0] =	vst v35;
	v63 =	vsub.f32 v28, v16;
	v21 =	vmul.f32 v25, v25;
	v22 =	vmul.f32 v28, v28  }
0xff: {  	[tilespmem:$0x1FFC0] =	vst v7;
	vm4 =	vlt.f32 v12, v27;
	v20 =	vsub.f32 v17, v18;
	v27 =	vmul.f32 v23, v23  }
0x100: {  	s31 =	simm.s32 $0x0;
	s30 =	sor.u32 $0x10, s29;
	[tilespmem:$0x1FFF0] =	vst v10;
	v25 =	vmul.f32 v63, v63;
	v12 =	vadd.s32 $0x8, v6;
	v23 =	vmul.f32 $3.109120390e-02, v29  }
.LBB2_3:
0x101: {  	v39 =	vor.u32 $0x1, v12  }
0x102: {  	v19 =	vmul.f32 v19, v19;
	vm0 =	vmand vm2, vm0;
	vm1 =	vmand vm4, vm1;
	v0 =	vld.idx.msk [tilespmem:v12+s21+$0x0], $0xffff  }
0x103: {  	v29 =	vor.u32 $0x2, v12;
	v1 =	vld.idx.msk [tilespmem:v12+s22+$0x0], $0xffff;
	v13 =	vmul.f32 v16, v16;
	v16 =	vor.u32 $0x4, v12  }
0x104: {  	v11 =	vmul.f32 v18, v18;
	v35 =	vld [tilespmem:$0x1FF80];
	v40 =	vor.u32 $0x5, v12;
	v42 =	vor.u32 $0x6, v12  }
0x105: {  	v34 =	vld [tilespmem:$0x1FF90];
	v43 =	vor.u32 $0x7, v12;
	v28 =	vmul.f32 v14, v14;
	vm5 =	vle.f32 v24, v54  }
0x106: {  	v37 =	vld [tilespmem:$0x1FFC0];
	vm2 =	vle.f32 v15, v54;
	vm4 =	vlt.f32 v27, v26;
	v24 =	vmul.f32 $3.109120390e-02, v21  }
0x107: {  	v18 =	vld [tilespmem:$0x1FFA0];
	vm1 =	vmor vm3, vm1;
	v21 =	vor.u32 $0x3, v12;
	v27 =	vmul.f32 v17, v17  }
0x108: {  	v26 =	vmul.f32 v20, v20;
	vm3 =	vle.f32 v25, v8;
	v15 =	vld [tilespmem:$0x1FFB0];
	vm2 =	vmand vm2, vm5  }
0x109: {  	vm0 =	vmand vm4, vm0;
	vm4 =	vle.f32 v22, v8;
	v25 =	vmul.f32 $3.109120390e-02, v28;
	v3 =	vld.idx.msk [tilespmem:v39+s21+$0x0], $0xffff  }
0x10a: {  	vm5 =	vlt.f32 v19, v23;
	v2 =	vld.idx.msk [tilespmem:v39+s22+$0x0], $0xffff;
	v28 =	vmul.f32 v0, v35;
	v36 =	vmul.f32 v1, v34  }
0x10b: {  	vm0 =	vmor vm1, vm0;
	vm2 =	vmand vm5, vm2;
	vm1 =	vmand vm4, vm3;
	v19 =	vld.idx.msk [tilespmem:v29+s21+$0x0], $0xffff  }
0x10c: {  	v4 =	vmul.f32 v0, v37;
	v20 =	vld.idx.msk [tilespmem:v29+s22+$0x0], $0xffff;
	v14 =	vmul.f32 v1, v35;
	v28 =	vadd.f32 v36, v28  }
0x10d: {  	vm3 =	vlt.f32 v13, v24;
	v38 =	vmul.f32 v0, v18;
	v41 =	vmul.f32 v0, v34  }
0x10e: {  	vm4 =	vle.f32 v26, v53;
	v44 =	vmul.f32 v1, v15;
	v28 =	vmul.f32 v28, v28  }
0x10f: {  	vm5 =	vle.f32 v27, v53;
	v23 =	vld.idx.msk [tilespmem:v16+s21+$0x0], $0xffff;
	v45 =	vmul.f32 v3, v35;
	v13 =	vmul.f32 v2, v35  }
0x110: {  	[tilespmem:$0x1FE60] =	vst v46;
	vm0 =	vmor vm0, vm2;
	v24 =	vld.idx.msk [tilespmem:v16+s22+$0x0], $0xffff;
	v46 =	vmul.f32 v2, v34;
	v47 =	vmul.f32 v3, v34  }
0x111: {  	vm1 =	vmand vm3, vm1;
	v26 =	vld.idx.msk [tilespmem:v40+s21+$0x0], $0xffff;
	v48 =	vmul.f32 v19, v35;
	v49 =	vmul.f32 v20, v35  }
0x112: {  	vm2 =	vmand vm5, vm4;
	v27 =	vld.idx.msk [tilespmem:v40+s22+$0x0], $0xffff;
	v50 =	vmul.f32 v20, v34;
	v51 =	vmul.f32 v19, v34  }
0x113: {  	v30 =	vld.idx.msk [tilespmem:v42+s21+$0x0], $0xffff;
	vm3 =	vlt.f32 v11, v25;
	v10 =	vmul.f32 v3, v18;
	v54 =	vmul.f32 v2, v15  }
0x114: {  	v31 =	vld.idx.msk [tilespmem:v42+s22+$0x0], $0xffff;
	vm0 =	vmor vm0, vm1;
	v57 =	vmul.f32 v23, v35;
	v58 =	vmul.f32 v19, v18  }
0x115: {  	v32 =	vld.idx.msk [tilespmem:v43+s21+$0x0], $0xffff;
	vm1 =	vmand vm3, vm2;
	v59 =	vmul.f32 v24, v34;
	v11 =	vmul.f32 v20, v15  }
0x116: {  	v33 =	vld.idx.msk [tilespmem:v43+s22+$0x0], $0xffff;
	vm0 =	vmor vm0, vm1;
	v25 =	vmul.f32 v24, v35;
	v60 =	vmul.f32 v23, v34  }
0x117: {  	[tilespmem:$0x1FF10] =	vst v1;
	v17 =	vld.idx.msk [tilespmem:v21+s21+$0x0], $0xffff;
	v6 =	vsel vm0, $0x1, v6;
	v61 =	vmul.f32 v26, v35;
	v63 =	vmul.f32 v27, v34  }
0x118: {  	v22 =	vld.idx.msk [tilespmem:v21+s22+$0x0], $0xffff;
	[tilespmem:$0x1FF70] =	vst v6;
	v9 =	vmul.f32 v27, v35;
	v1 =	vmul.f32 v26, v34  }
0x119: {  	v8 =	vld.idx.msk [tilespmem:v12+s23+$0x0], $0xffff;
	[tilespmem:$0x1FF00] =	vst v2;
	v2 =	vmul.f32 v30, v35;
	v5 =	vmul.f32 v31, v34  }
0x11a: {  	[tilespmem:$0x1FEF0] =	vst v3;
	v6 =	vmul.f32 v32, v35;
	v3 =	vmul.f32 v23, v18  }
0x11b: {  	[tilespmem:$0x1FF30] =	vst v4;
	v14 =	vsub.f32 v14, v41;
	v4 =	vmul.f32 v33, v34;
	v36 =	vmul.f32 v24, v15  }
0x11c: {  	v38 =	vsub.f32 v38, v44;
	v7 =	vmul.f32 v31, v35;
	v41 =	vmul.f32 v30, v34  }
0x11d: {  	v52 =	vmul.f32 v17, v35;
	v53 =	vmul.f32 v22, v34  }
0x11e: {  	v38 =	vsub.f32 v38, v8;
	v55 =	vmul.f32 v22, v35;
	v56 =	vmul.f32 v17, v34  }
0x11f: {  	[tilespmem:$0x1FF40] =	vst v0;
	v62 =	vmul.f32 v17, v18;
	v0 =	vmul.f32 v22, v15;
	v13 =	vsub.f32 v13, v47  }
0x120: {  	v28 =	vmul.f32 $3.109120390e-02, v28;
	v44 =	vadd.f32 v46, v45;
	v46 =	vsub.f32 v49, v51  }
0x121: {  	v45 =	vmul.f32 v33, v35;
	v47 =	vadd.f32 v50, v48;
	v10 =	vsub.f32 v10, v54  }
0x122: {  	v48 =	vmul.f32 v32, v34;
	v11 =	vsub.f32 v58, v11;
	v34 =	vsub.f32 v25, v60  }
0x123: {  	v50 =	vmul.f32 v26, v18;
	v9 =	vsub.f32 v9, v1;
	v5 =	vadd.f32 v5, v2  }
0x124: {  	v58 =	vmul.f32 v31, v15;
	v3 =	vsub.f32 v3, v36;
	v4 =	vadd.f32 v4, v6  }
0x125: {  	v36 =	vmul.f32 v33, v15;
	v49 =	vadd.f32 v53, v52;
	v51 =	vsub.f32 v55, v56  }
0x126: {  	v52 =	vadd.f32 v59, v57;
	v53 =	vmul.f32 v27, v15;
	v55 =	vmul.f32 v30, v18  }
0x127: {  	v56 =	vsub.f32 v62, v0;
	v59 =	vmul.f32 v32, v18;
	v15 =	vmul.f32 v14, v14  }
0x128: {  	v57 =	vadd.f32 v63, v61;
	v61 =	vmul.f32 v13, v13;
	v62 =	vmul.f32 v46, v46  }
0x129: {  	v7 =	vsub.f32 v7, v41;
	v47 =	vmul.f32 v47, v47;
	v60 =	vmul.f32 v34, v34  }
0x12a: {  	v1 =	vld.idx.msk [tilespmem:v29+s23+$0x0], $0xffff;
	v48 =	vsub.f32 v45, v48;
	v6 =	vmul.f32 v9, v9;
	v5 =	vmul.f32 v5, v5  }
0x12b: {  	v25 =	vld.idx.msk [tilespmem:v21+s23+$0x0], $0xffff;
	v4 =	vmul.f32 v4, v4;
	v50 =	vsub.f32 v50, v53;
	v53 =	vmul.f32 v44, v44  }
0x12c: {  	v41 =	vld.idx.msk [tilespmem:v40+s23+$0x0], $0xffff;
	v55 =	vsub.f32 v55, v58;
	v58 =	vmul.f32 v51, v51;
	v49 =	vmul.f32 v49, v49  }
0x12d: {  	v0 =	vld.idx.msk [tilespmem:v39+s23+$0x0], $0xffff;
	v14 =	vsub.f32 v38, v14;
	v52 =	vmul.f32 v52, v52;
	v57 =	vmul.f32 v57, v57  }
0x12e: {  	v18 =	vld.idx.msk [tilespmem:v16+s23+$0x0], $0xffff;
	v59 =	vsub.f32 v59, v36;
	v2 =	vmul.f32 v48, v48;
	v47 =	vmul.f32 $3.109120390e-02, v47  }
0x12f: {  	v45 =	vld.idx.msk [tilespmem:v43+s23+$0x0], $0xffff;
	vm0 =	vlt.f32 v15, v28;
	v5 =	vmul.f32 $3.109120390e-02, v5;
	v4 =	vmul.f32 $3.109120390e-02, v4  }
0x130: {  	v35 =	vmovc v39;
	v56 =	vsub.f32 v56, v25;
	v39 =	vmul.f32 $3.109120390e-02, v53;
	v49 =	vmul.f32 $3.109120390e-02, v49  }
0x131: {  	v44 =	vld.idx.msk [tilespmem:v42+s23+$0x0], $0xffff;
	v50 =	vsub.f32 v50, v41;
	v52 =	vmul.f32 $3.109120390e-02, v52;
	v57 =	vmul.f32 $3.109120390e-02, v57  }
0x132: {  	v53 =	vld.idx.msk [tilespmem:v12+s24+$0x0], $0xffff;
	v12 =	vadd.s32 $0x8, v12;
	v63 =	vsub.f32 v10, v0;
	v10 =	vsub.f32 v11, v1  }
0x133: {  	[tilespmem:$0x1FF20] =	vst v1;
	v1 =	vmul.f32 v7, v7;
	v3 =	vsub.f32 v3, v18;
	v11 =	vmul.f32 v38, v38  }
0x134: {  	vm14 =	vlt.f32 v2, v4;
	v59 =	vsub.f32 v59, v45;
	v36 =	vmul.f32 v56, v56  }
0x135: {  	[tilespmem:$0x1FF60] =	vst v8;
	v51 =	vsub.f32 v56, v51;
	v56 =	vmul.f32 v50, v50;
	v9 =	vsub.f32 v50, v9  }
0x136: {  	v8 =	vld.idx.msk [tilespmem:v35+s24+$0x0], $0xffff;
	vm8 =	vlt.f32 v60, v52;
	vm12 =	vlt.f32 v6, v57;
	v52 =	vmul.f32 v32, v37  }
0x137: {  	[tilespmem:$0x1FF50] =	vst v0;
	v57 =	vmul.f32 v19, v37;
	v55 =	vsub.f32 v55, v44;
	v0 =	vmul.f32 v63, v63  }
0x138: {  	v35 =	vld.idx.msk [tilespmem:v16+s24+$0x0], $0xffff;
	v38 =	vmul.f32 v10, v10;
	v63 =	vsub.f32 v63, v13;
	v10 =	vsub.f32 v10, v46  }
0x139: {  	v46 =	vmul.f32 v3, v3;
	v3 =	vsub.f32 v3, v34;
	v34 =	vld.idx.msk [tilespmem:v40+s24+$0x0], $0xffff;
	v13 =	vimm.s32 $0x0  }
0x13a: {  	v40 =	vld.idx.msk [tilespmem:v43+s24+$0x0], $0xffff;
	v43 =	vimm.s32 $0x0;
	vm13 =	vlt.f32 v1, v5;
	v5 =	vmul.f32 v23, v37  }
0x13b: {  	v16 =	vmul.f32 v59, v59;
	v13 =	vsel vm0, $0xFFFFFFFF, v13;
	v15 =	vsub.f32 v59, v48  }
0x13c: {  	v54 =	vld.idx.msk [tilespmem:v29+s24+$0x0], $0xffff;
	v48 =	vimm.s32 $0x0;
	v50 =	vmul.f32 v55, v55;
	v7 =	vsub.f32 v55, v7  }
0x13d: {  	vm0 =	vle.f32 v11, v53;
	v11 =	vimm.s32 $0x0;
	v55 =	vimm.s32 $0x0  }
0x13e: {  	v59 =	vmul.f32 v63, v63;
	v10 =	vmul.f32 v10, v10;
	vm10 =	vle.f32 v46, v35  }
0x13f: {  	v3 =	vmul.f32 v3, v3;
	v11 =	vsel vm0, $0xFFFFFFFF, v11;
	vm0 =	vlt.f32 v61, v39  }
0x140: {  	v4 =	vmul.f32 v15, v15;
	[tilespmem:$0x1FEC0] =	vst v11;
	v11 =	vmul.f32 v14, v14;
	v14 =	vimm.s32 $0x0  }
0x141: {  	v63 =	vmul.f32 v7, v7;
	vm7 =	vle.f32 v59, v8;
	vm6 =	vle.f32 v10, v54  }
0x142: {  	[tilespmem:$0x1FEE0] =	vst v13;
	v13 =	vld.idx.msk [tilespmem:v42+s24+$0x0], $0xffff;
	vm3 =	vle.f32 v3, v35;
	v14 =	vsel vm0, $0xFFFFFFFF, v14;
	vm0 =	vle.f32 v0, v8  }
0x143: {  	v29 =	vld.idx.msk [tilespmem:v21+s24+$0x0], $0xffff;
	vm11 =	vle.f32 v56, v34;
	vm4 =	vle.f32 v16, v40;
	vm1 =	vle.f32 v4, v40  }
0x144: {  	vm3 =	vmand vm10, vm3;
	v0 =	vsel vm0, $0xFFFFFFFF, v43;
	vm0 =	vle.f32 v38, v54  }
0x145: {  	[tilespmem:$0x1FED0] =	vst v14;
	v14 =	vimm.s32 $0x0;
	vm9 =	vle.f32 v11, v53;
	vm1 =	vmand vm4, vm1  }
0x146: {  	v16 =	vld [tilespmem:$0x1FFD0];
	vm3 =	vmand vm8, vm3;
	[tilespmem:$0x1FEA0] =	vst v0;
	v0 =	vsel vm0, $0xFFFFFFFF, v48;
	vm0 =	vlt.f32 v62, v47  }
0x147: {  	v62 =	vmul.f32 v9, v9;
	vm15 =	vle.f32 v50, v13;
	vm1 =	vmand vm14, vm1  }
0x148: {  	v50 =	vmul.f32 v30, v37;
	[tilespmem:$0x1FE80] =	vst v0;
	v0 =	vsel vm0, $0xFFFFFFFF, v55;
	vm0 =	vle.f32 v36, v29  }
0x149: {  	v9 =	vmul.f32 v17, v37;
	v55 =	vmul.f32 v26, v37;
	v14 =	vsel vm0, $0xFFFFFFFF, v14  }
0x14a: {  	vm0 =	vlt.f32 v58, v49;
	vm2 =	vle.f32 v62, v34;
	[tilespmem:$0x1FE70] =	vst v14;
	v14 =	vimm.s32 $0x0  }
0x14b: {  	v47 =	vld [tilespmem:$0x1FEC0];
	vm2 =	vmand vm11, vm2;
	v4 =	vmul.f32 v33, v16;
	v6 =	vmul.f32 v27, v16  }
0x14c: {  	v38 =	vld [tilespmem:$0x1FE80];
	v56 =	vmul.f32 v24, v16;
	v11 =	vmul.f32 v22, v16;
	v14 =	vsel vm0, $0xFFFFFFFF, v14  }
0x14d: {  	v58 =	vmul.f32 v20, v16;
	vm0 =	vle.f32 v63, v13;
	vm2 =	vmand vm12, vm2;
	v36 =	vld [tilespmem:$0x1FE70];
	[tilespmem:$0x1FE90] =	vst v14  }
0x14e: {  	v14 =	vmul.f32 v51, v51;
	vm0 =	vmand vm15, vm0;
	v2 =	vsub.f32 v52, v4;
	v39 =	vld [tilespmem:$0x1FE90]  }
0x14f: {  	v42 =	vld [tilespmem:$0x1FEA0];
	[tilespmem:$0x1FEB0] =	vst v0;
	v51 =	vmul.f32 v31, v16;
	v3 =	vsub.f32 v55, v6;
	v1 =	vsub.f32 v5, v56  }
0x150: {  	v43 =	vld [tilespmem:$0x1FEB0];
	v9 =	vsub.f32 v9, v11;
	vm0 =	vmand vm13, vm0;
	vm5 =	vle.f32 v14, v29  }
0x151: {  	vm0 =	vmor vm1, vm0;
	v0 =	vsub.f32 v50, v51;
	v2 =	vsub.f32 v2, v45;
	v50 =	vld [tilespmem:$0x1FF10]  }
0x152: {  	v48 =	vld [tilespmem:$0x1FED0];
	v3 =	vsub.f32 v3, v41;
	v1 =	vsub.f32 v1, v18;
	vm0 =	vmor vm0, vm2  }
0x153: {  	vm2 =	vnez.u8 v38;
	vm1 =	vnez.u8 v36;
	vm4 =	vnez.u8 v39;
	v39 =	vld [tilespmem:$0x1FFF0]  }
0x154: {  	vm2 =	vmand vm2, vm6;
	vm0 =	vmor vm0, vm3;
	vm3 =	vnez.u8 v42  }
0x155: {  	v49 =	vld [tilespmem:$0x1FEE0];
	v0 =	vsub.f32 v0, v44;
	vm1 =	vmand vm1, vm5;
	vm3 =	vmand vm3, vm7  }
0x156: {  	vm1 =	vmand vm4, vm1;
	vm4 =	vnez.u8 v43;
	v43 =	vld [tilespmem:$0x1FFE0];
	v51 =	vmul.f32 v50, v16  }
0x157: {  	vm2 =	vmand vm4, vm2;
	vm0 =	vmor vm0, vm1;
	vm1 =	vnez.u8 v47  }
0x158: {  	vm4 =	vnez.u8 v48;
	vm1 =	vmand vm1, vm9;
	v4 =	vmul.f32 v30, v39  }
0x159: {  	vm3 =	vmand vm4, vm3;
	v10 =	vmul.f32 v32, v39;
	v5 =	vmul.f32 v26, v39  }
0x15a: {  	v61 =	vld [tilespmem:$0x1FE60];
	vm0 =	vmor vm0, vm2;
	v11 =	vmul.f32 v23, v39;
	v62 =	vmul.f32 v17, v39  }
0x15b: {  	vm2 =	vnez.u8 v49;
	v18 =	vmul.f32 v19, v39;
	v7 =	vmul.f32 v31, v43  }
0x15c: {  	v56 =	vld [tilespmem:$0x1FF40];
	vm1 =	vmand vm2, vm1;
	v6 =	vmul.f32 v33, v43;
	v14 =	vmul.f32 v27, v43  }
0x15d: {  	vm0 =	vmor vm0, vm3;
	v15 =	vmul.f32 v30, v43;
	v28 =	vmul.f32 v32, v43  }
0x15e: {  	vm0 =	vmor vm0, vm1;
	v59 =	vmul.f32 v24, v43;
	v26 =	vmul.f32 v26, v43  }
0x15f: {  	v46 =	vsel vm0, $0x1, v61;
	v23 =	vmul.f32 v23, v43;
	v24 =	vmul.f32 v24, v39  }
0x160: {  	v60 =	vld [tilespmem:$0x1FEF0];
	v30 =	vsub.f32 v57, v58;
	v49 =	vmul.f32 v20, v43;
	v21 =	vmul.f32 v17, v43  }
0x161: {  	v20 =	vmul.f32 v20, v39;
	v57 =	vmul.f32 v56, v39;
	v4 =	vsub.f32 v7, v4  }
0x162: {  	v7 =	vmul.f32 v31, v39;
	v6 =	vsub.f32 v6, v10;
	v10 =	vmul.f32 v33, v39  }
0x163: {  	v5 =	vsub.f32 v14, v5;
	v14 =	vmul.f32 v27, v39;
	v11 =	vsub.f32 v59, v11  }
0x164: {  	v23 =	vadd.f32 v24, v23;
	v24 =	vmul.f32 v19, v43;
	v7 =	vadd.f32 v7, v15  }
0x165: {  	v61 =	vld [tilespmem:$0x1FF00];
	v15 =	vmul.f32 v60, v37;
	v10 =	vadd.f32 v10, v28;
	v28 =	vmul.f32 v22, v43  }
0x166: {  	v17 =	vld [tilespmem:$0x1FF20];
	v63 =	vsub.f32 v0, v4;
	v48 =	vsub.f32 v2, v6;
	v22 =	vmul.f32 v22, v39  }
0x167: {  	v14 =	vadd.f32 v14, v26;
	v0 =	vmul.f32 v0, v0;
	v2 =	vmul.f32 v2, v2  }
0x168: {  	v26 =	vsub.f32 v3, v5;
	v3 =	vmul.f32 v3, v3;
	v4 =	vmul.f32 v4, v4  }
0x169: {  	v20 =	vadd.f32 v20, v24;
	v6 =	vmul.f32 v6, v6;
	v24 =	vmul.f32 v50, v39  }
0x16a: {  	v52 =	vsub.f32 v1, v11;
	v1 =	vmul.f32 v1, v1;
	v5 =	vmul.f32 v5, v5  }
0x16b: {  	v27 =	vmul.f32 v61, v16;
	v30 =	vsub.f32 v30, v17;
	v17 =	vmul.f32 v60, v43  }
0x16c: {  	v9 =	vsub.f32 v9, v25;
	v55 =	vmul.f32 v61, v39;
	v7 =	vmul.f32 v7, v7  }
0x16d: {  	v25 =	vsub.f32 v28, v62;
	v10 =	vmul.f32 v10, v10;
	v28 =	vmul.f32 v60, v39  }
0x16e: {  	v19 =	vsub.f32 v49, v18;
	v36 =	vmul.f32 v63, v63;
	v38 =	vmul.f32 v48, v48  }
0x16f: {  	v18 =	vadd.f32 v22, v21;
	v14 =	vmul.f32 v14, v14;
	v22 =	vmul.f32 v50, v43  }
0x170: {  	v16 =	vld [tilespmem:$0x1FF30];
	v26 =	vmul.f32 v26, v26;
	vm1 =	vle.f32 v0, v13;
	vm3 =	vle.f32 v2, v40  }
0x171: {  	v15 =	vsub.f32 v15, v27;
	v27 =	vmul.f32 v61, v43;
	v60 =	vsub.f32 v30, v19  }
0x172: {  	v61 =	vadd.f32 v55, v17;
	v58 =	vsub.f32 v9, v25;
	v7 =	vmul.f32 $3.109120390e-02, v7  }
0x173: {  	v10 =	vmul.f32 $3.109120390e-02, v10;
	vm0 =	vle.f32 v36, v13;
	vm2 =	vle.f32 v38, v40  }
0x174: {  	v62 =	vmul.f32 $3.109120390e-02, v14;
	v13 =	vld [tilespmem:$0x1FF60];
	vm4 =	vle.f32 v26, v34;
	vm0 =	vmand vm1, vm0  }
0x175: {  	vm1 =	vmand vm3, vm2;
	vm2 =	vle.f32 v3, v34;
	v21 =	vsub.f32 v16, v51;
	v16 =	vld [tilespmem:$0x1FF50]  }
0x176: {  	vm3 =	vlt.f32 v4, v7;
	v4 =	vmul.f32 v9, v9;
	vm5 =	vlt.f32 v6, v10  }
0x177: {  	v6 =	vmul.f32 v20, v20;
	v9 =	vmul.f32 v11, v11;
	vm2 =	vmand vm2, vm4  }
0x178: {  	vm0 =	vmand vm3, vm0;
	vm1 =	vmand vm5, vm1;
	vm5 =	vlt.f32 v5, v62  }
0x179: {  	vm4 =	vle.f32 v1, v35;
	vm5 =	vmand vm5, vm2;
	vm6 =	vmor vm1, vm0  }
0x17a: {  	v17 =	vsub.f32 v21, v13;
	v21 =	vmul.f32 v61, v61;
	v59 =	vsub.f32 v15, v16  }
0x17b: {  	v16 =	vsub.f32 v27, v28;
	v15 =	vmul.f32 v23, v23;
	v23 =	vmul.f32 v56, v43  }
0x17c: {  	s31 =	sadd.s32 $0x8, s31;
	vm2 =	vle.f32 v4, v29;
	v27 =	vmul.f32 v52, v52;
	v28 =	vmul.f32 v18, v18  }
0x17d: {  	p0 =	slt.u32 s31, $0xF8;
	v18 =	vsub.f32 v22, v57;
	v22 =	vmul.f32 v58, v58;
	v63 =	vsub.f32 v59, v16  }
.Ltmp0:
0x17e: {  	v14 =	vadd.f32 v24, v23;
	v7 =	vmul.f32 $3.109120390e-02, v15;
	v24 =	vmul.f32 v60, v60;
	(pc) =	sbr.rel @p0 .LBB2_3-.Ltmp0, $4  }
0x17f: {  	vm3 =	vle.f32 v27, v35;
	v15 =	vmul.f32 v30, v30;
	v20 =	vsub.f32 v17, v18  }
0x180: {  	v26 =	vmul.f32 $3.109120390e-02, v28;
	v27 =	vmul.f32 v25, v25;
	vm0 =	vle.f32 v22, v29  }
0x181: {  	v22 =	vmul.f32 v59, v59;
	v23 =	vmul.f32 $3.109120390e-02, v6;
	vm1 =	vmand vm4, vm3  }
0x182: {  	v6 =	vld [tilespmem:$0x1FF70];
	vm3 =	vmor vm6, vm5;
	v25 =	vmul.f32 v63, v63;
	vm4 =	vlt.f32 v9, v7  }
0x183: {  	v0 =	vmul.f32 v14, v14;
	v1 =	vmul.f32 v19, v19  }
0x184: {  	vm5 =	vle.f32 v24, v54;
	vm0 =	vmand vm2, vm0;
	vm1 =	vmand vm4, vm1  }
0x185: {  	vm10 =	vle.f32 v15, v54;
	v2 =	vmul.f32 v16, v16;
	v3 =	vmul.f32 $3.109120390e-02, v21  }
0x186: {  	vm11 =	vlt.f32 v27, v26;
	v4 =	vmul.f32 v17, v17;
	v5 =	vmul.f32 v20, v20  }
0x187: {  	vm13 =	vle.f32 v22, v8;
	v62 =	vmul.f32 v18, v18;
	vm1 =	vmor vm3, vm1  }
0x188: {  	vm12 =	vle.f32 v25, v8;
	vm2 =	vmand vm10, vm5;
	vm0 =	vmand vm11, vm0  }
0x189: {  	v0 =	vmul.f32 $3.109120390e-02, v0;
	vm14 =	vlt.f32 v1, v23;
	vm0 =	vmor vm1, vm0  }
0x18a: {  	vm8 =	vmand vm13, vm12;
	vm9 =	vlt.f32 v2, v3;
	vm10 =	vle.f32 v5, v53  }
0x18b: {  	s28 =	sadd.s32 $0x1, s28;
	vm11 =	vle.f32 v4, v53;
	vm15 =	vmand vm14, vm2;
	vm12 =	vmand vm9, vm8  }
0x18c: {  	p0 =	sne.s32 s28, $0x8;
	vm13 =	vmand vm11, vm10;
	vm0 =	vmor vm0, vm15;
	vm14 =	vlt.f32 v62, v0  }
.Ltmp1:
0x18d: {  	vm0 =	vmor vm0, vm12;
	vm15 =	vmand vm14, vm13;
	(pc) =	sbr.rel @p0 .LBB2_2-.Ltmp1, $4  }
0x18e: {  	vm0 =	vmor vm0, vm15  }
0x18f: {  	v63 =	vsel vm0, $0x1, v6  }
0x190: {  	[tilespmem:s29+$0xC00] =	vst v63  }
0x191: {  	[tilespmem:s30+$0xC00] =	vst v46  }
0x192: {  	s26 =	sadd.s32 $0x1, s26  }
0x193: {  	p0 =	sne.s32 s26, s12  }
.Ltmp2:
0x194: {  	_ = 	snop;
	(pc) =	sbr.rel @p0 .LBB2_1-.Ltmp2, $4  }
0x195: {  	[hbm4b:s11+s1] =	stream.linear.scatter [tilespmem:s25], [sflag:$0x1], $0x100, $0x38;
	[tilespmem:$0xD00] =	vst v63  }
0x196: {  	_ =	swait.ge [sflag:s13], $0x100  }
0x197: {  	[sflag:s13] =	ssyncset.done $0x0  }
0x198: {  	[sflag:s13] =	ssyncadd.s32 $0xFFFFFF00  }
0x199: {  	_ =	sfence.sel $0x180000  }
0x19a: {  	[bflag:$0x0] =	sbarrier.arrive $0xFFFF  }
0x19b: {  	p0 =	sne.s32 s2, $0x0;
	_ =	strace $0x90000047  }
0x19c: {  	s0 =	sadd.s32 @!p0 $0x100000, s0;
	[bflag:$0x2] =	sbarrier.arrive $0xFFFF  }
0x19d: {  	[sflag:s0] =	ssyncadd.tile.s32 @!p0 $0x1;
	_ =	shalt  }
.Lfunc_end2:
_tile_overlayer_lowered:
.L_overlay_start_2:
0x19e: {  	(tag) =	ssettag $0x2  }
0x19f: {  	s0 =	rddreg [dreg:$0x0];
	s2 =	stileid.u32  }
0x1a0: {  	s1 =	rddreg [dreg:$0x1];
	p0 =	sne.s32 s2, $0x0  }
0x1a1: {  	s3 =	rddreg [dreg:$0x2];
	[bflag:$0x3] =	sbarrier.arrive $0xFFFF;
	s2 =	simm.s32 @!p0 $0x1C01  }
0x1a2: {  	[timem:s3], [sflag:s2] =	dma.local @!p0 [hbm:s0], s1  }
0x1a3: {  	s0 =	simm.s32 @!p0 $0x1  }
0x1a4: {  	_ =	swait.ge @!p0 [sflag:s0], s1  }
0x1a5: {  	s1 =	ssub.s32 @!p0 $0x0, s1;
	[sflag:s0] =	ssyncset.done @!p0 $0x0  }
0x1a6: {  	[sflag:s0] =	ssyncadd.s32 @!p0 s1  }
0x1a7: {  	[bflag:$0x3] =	sbarrier.arrive $0xFFFF  }
0x1a8: {  	_ =	shalt  }

</sc_bundles>
